<compile_context>
chip_gen: v7x
topology: tpu7x:2x2x1
jax: 0.10.2.dev20260603
libtpu: 0.0.44.dev20260713+nightly
codegen_flags: <defaults>
</compile_context>

<pallas_src>
import functools

import jax
import jax.numpy as jnp
from jax import lax
from jax.experimental import pallas as pl
from jax.experimental.pallas import tpu as pltpu
from jax.experimental.pallas import tpu_sc as plsc

N = 10000
E = 320000
H = 128
BN_EPS = 1e-5

NC = 2
NS = 16
NW = NC * NS

XC = 80
XCHUNKS = 4
XPT = XC * XCHUNKS
XPAD = NW * XPT

EC = 128
ECHUNKS = 80
EPT = EC * ECHUNKS
EPAD = NW * EPT
NBUF = 2
NSH = 10240
RPT = NSH // NS
DUMMY = N

_MESH = plsc.VectorSubcoreMesh(core_axis_name="c", subcore_axis_name="s")


def _gather_body(x_hbm, emb_hbm, out_hbm, *scr):
    idx_v = scr[0]
    rows = scr[1:1 + XCHUNKS]
    sems = scr[1 + XCHUNKS:1 + 2 * XCHUNKS]
    c = lax.axis_index("c")
    s = lax.axis_index("s")
    wid = s * NC + c
    pltpu.sync_copy(x_hbm.at[wid], idx_v)
    cps = [pltpu.async_copy(emb_hbm.at[idx_v.at[b]], rows[b], sems[b])
           for b in range(XCHUNKS)]
    for b in range(XCHUNKS):
        cps[b].wait()
        pltpu.sync_copy(rows[b], out_hbm.at[pl.ds(wid * XPT + b * XC, XC)])


def _gather_rows(x3, emb):
    f = pl.kernel(
        _gather_body,
        mesh=_MESH,
        out_type=jax.ShapeDtypeStruct((XPAD, H), jnp.float32),
        scratch_types=[pltpu.VMEM((XCHUNKS, XC), jnp.int32)]
        + [pltpu.VMEM((XC, H), jnp.float32)] * XCHUNKS
        + [pltpu.SemaphoreType.DMA] * XCHUNKS,
    )
    return f(x3, emb)


def _agg_body(src_hbm, dst_hbm, h_hbm, out_hbm, *scr):
    srcb = scr[0:NBUF]
    dstb = scr[NBUF:2 * NBUF]
    rows = scr[2 * NBUF:3 * NBUF]
    agg_sh = scr[3 * NBUF]
    gsems = scr[1 + 3 * NBUF:1 + 4 * NBUF]
    isems = scr[1 + 4 * NBUF:1 + 5 * NBUF]
    r0 = rows[0]
    c = lax.axis_index("c")
    s = lax.axis_index("s")
    wid = s * NC + c
    base = wid * EPT

    def zrow(i, carry):
        for j in range(H // 16):
            r0[i, pl.ds(j * 16, 16)] = jnp.zeros((16,), jnp.float32)
        return carry

    lax.fori_loop(0, EC, zrow, None)
    for j in range(RPT // EC):
        pltpu.sync_copy(r0, agg_sh.at[pl.ds(s * RPT + j * EC, EC)])
    plsc.subcore_barrier()

    for b in range(NBUF):
        pltpu.sync_copy(src_hbm.at[pl.ds(base + b * EC, EC)], srcb[b])
        pltpu.sync_copy(dst_hbm.at[pl.ds(base + b * EC, EC)], dstb[b])

    def step(i, carry):
        k0 = i * NBUF
        gcps = [pltpu.async_copy(h_hbm.at[srcb[b]], rows[b], gsems[b])
                for b in range(NBUF)]
        for b in range(NBUF):
            gcps[b].wait()
            pltpu.sync_copy(rows[b], agg_sh.at[dstb[b]], add=True)

            @pl.when(i + 1 < ECHUNKS // NBUF)
            def _prefetch():
                off = base + (k0 + NBUF + b) * EC
                pltpu.async_copy(src_hbm.at[pl.ds(off, EC)], srcb[b], isems[b])
                pltpu.async_copy(dst_hbm.at[pl.ds(off, EC)], dstb[b], isems[b])

        @pl.when(i + 1 < ECHUNKS // NBUF)
        def _drain():
            for b in range(NBUF):
                pltpu.make_async_copy(src_hbm.at[pl.ds(base, EC)],
                                      srcb[b], isems[b]).wait()
                pltpu.make_async_copy(dst_hbm.at[pl.ds(base, EC)],
                                      dstb[b], isems[b]).wait()
        return carry

    lax.fori_loop(0, ECHUNKS // NBUF, step, None)
    plsc.subcore_barrier()

    for j in range(RPT // EC):
        pltpu.sync_copy(agg_sh.at[pl.ds(s * RPT + j * EC, EC)],
                        out_hbm.at[pl.ds(c * NSH + s * RPT + j * EC, EC)])


def _edge_agg(src_pad, dst_pad, h):
    f = pl.kernel(
        _agg_body,
        mesh=_MESH,
        out_type=jax.ShapeDtypeStruct((NC * NSH, H), jnp.float32),
        scratch_types=[pltpu.VMEM((EC,), jnp.int32)] * (2 * NBUF)
        + [pltpu.VMEM((EC, H), jnp.float32)] * NBUF
        + [pltpu.VMEM_SHARED((NSH, H), jnp.float32)]
        + [pltpu.SemaphoreType.DMA] * (2 * NBUF),
    )
    return f(src_pad, dst_pad, h)


BR = 1000


def _mlp_body(h_ref, p0_ref, p1_ref, w1_ref, b1_ref, w2_ref, b2_ref,
              sc_ref, be_ref, o_ref):
    z = h_ref[...] + p0_ref[...] + p1_ref[...]
    y = jnp.dot(z, w1_ref[...], preferred_element_type=jnp.float32) + b1_ref[...]
    y = jnp.maximum(y, 0.0)
    y = jnp.dot(y, w2_ref[...], preferred_element_type=jnp.float32) + b2_ref[...]
    y = jnp.maximum(y, 0.0)
    o_ref[...] = y * sc_ref[...] + be_ref[...]


def _mlp(h, p0, p1, w1t, b1, w2t, b2, scale, be):
    row = pl.BlockSpec((BR, H), lambda i: (i, 0))
    full = pl.BlockSpec((H, H), lambda i: (0, 0))
    vec = pl.BlockSpec((1, H), lambda i: (0, 0))
    return pl.pallas_call(
        _mlp_body,
        grid=(N // BR,),
        in_specs=[row, row, row, full, vec, full, vec, vec, vec],
        out_specs=row,
        out_shape=jax.ShapeDtypeStruct((N, H), jnp.float32),
    )(h, p0, p1, w1t, b1, w2t, b2, scale, be)


def _final_body(h1_ref, h2_ref, h3_ref, a1_ref, a2_ref, a3_ref, b1_ref,
                w2_ref, b2_ref, o_ref):
    t = (jnp.dot(h1_ref[...], a1_ref[...], preferred_element_type=jnp.float32)
         + jnp.dot(h2_ref[...], a2_ref[...], preferred_element_type=jnp.float32)
         + jnp.dot(h3_ref[...], a3_ref[...], preferred_element_type=jnp.float32)
         + b1_ref[...])
    t = jnp.maximum(t, 0.0)
    o_ref[...] = jnp.dot(t, w2_ref[...], preferred_element_type=jnp.float32) + b2_ref[...]


def _final(h1, h2, h3, a1, a2, a3, b1, w2p, b2p):
    row = pl.BlockSpec((BR, H), lambda i: (i, 0))
    full = pl.BlockSpec((H, H), lambda i: (0, 0))
    vec = pl.BlockSpec((1, H), lambda i: (0, 0))
    return pl.pallas_call(
        _final_body,
        grid=(N // BR,),
        in_specs=[row, row, row, full, full, full, vec,
                  pl.BlockSpec((H, 8), lambda i: (0, 0)),
                  pl.BlockSpec((1, 8), lambda i: (0, 0))],
        out_specs=pl.BlockSpec((BR, 8), lambda i: (i, 0)),
        out_shape=jax.ShapeDtypeStruct((N, 8), jnp.float32),
    )(h1, h2, h3, a1, a2, a3, b1, w2p, b2p)


def kernel(x, edge_index, emb,
           W1_0, b1_0, W2_0, b2_0, g_0, be_0,
           W1_1, b1_1, W2_1, b2_1, g_1, be_1,
           W1_2, b1_2, W2_2, b2_2, g_2, be_2,
           lin1_W, lin1_b, lin2_W, lin2_b):
    x3 = jnp.concatenate([x, jnp.zeros((XPAD - N,), jnp.int32)]).reshape(
        NW, XCHUNKS, XC)
    src_pad = jnp.concatenate([edge_index[0], jnp.zeros((EPAD - E,), jnp.int32)])
    pad_dst = N + jnp.arange(EPAD - E, dtype=jnp.int32) % (NSH - N)
    dst_pad = jnp.concatenate([edge_index[1], pad_dst])

    h = _gather_rows(x3, emb)[:N]

    w1t = jnp.stack([W1_0.T, W1_1.T, W1_2.T])
    w2t = jnp.stack([W2_0.T, W2_1.T, W2_2.T])
    b1s = jnp.stack([b1_0, b1_1, b1_2]).reshape(3, 1, H)
    b2s = jnp.stack([b2_0, b2_1, b2_2]).reshape(3, 1, H)
    scs = (jnp.stack([g_0, g_1, g_2]) / jnp.sqrt(1.0 + BN_EPS)).reshape(3, 1, H)
    bes = jnp.stack([be_0, be_1, be_2]).reshape(3, 1, H)

    def layer(h, w):
        parts = _edge_agg(src_pad, dst_pad, h)
        h = _mlp(h, parts[:N], parts[NSH:NSH + N],
                 w[0], w[1], w[2], w[3], w[4], w[5])
        return h, h

    _, hs = lax.scan(layer, h, (w1t, b1s, w2t, b2s, scs, bes))

    a1 = lin1_W[:, 0:H].T
    a2 = lin1_W[:, H:2 * H].T
    a3 = lin1_W[:, 2 * H:3 * H].T
    w2p = jnp.zeros((H, 8), jnp.float32).at[:, 0:2].set(lin2_W.T)
    b2p = jnp.zeros((8,), jnp.float32).at[0:2].set(lin2_b).reshape(1, 8)

    o = _final(hs[0], hs[1], hs[2], a1, a2, a3,
               lin1_b.reshape(1, H), w2p, b2p)
    return o[:, 0:2]

# --- scband reference (transcript-rebuilt; emitter-appended) ---
"""Pipeline reference for scband-gin-79035988181207 (READ-ONLY COPY).

The authoritative reference and input builder live on the scoring server;
editing this copy changes nothing except your own understanding.
"""

import jax, jax.numpy as jnp
import numpy as np

N = 10000
E = 320000
H = 128
BN_EPS = 1e-5


def _lin(key, out_dim, in_dim):
    k1, k2 = jax.random.split(key)
    bound = 1.0 / np.sqrt(in_dim)
    W = jax.random.uniform(k1, (out_dim, in_dim), minval=-bound, maxval=bound, dtype=jnp.float32)
    b = jax.random.uniform(k2, (out_dim,), minval=-bound, maxval=bound, dtype=jnp.float32)
    return W, b


def setup_inputs(seed: int = 0):
    key = jax.random.key(seed)
    ks = jax.random.split(key, 16)
    inp = {}
    inp["x"] = jax.random.randint(ks[0], (N,), 0, N, dtype=jnp.int32)
    inp["edge_index"] = jax.random.randint(ks[1], (2, E), 0, N, dtype=jnp.int32)
    inp["emb"] = jax.random.normal(ks[2], (N, H), dtype=jnp.float32)
    for l in range(3):
        kl = jax.random.split(ks[3 + l], 2)
        W1, b1 = _lin(kl[0], H, H)
        W2, b2 = _lin(kl[1], H, H)
        inp[f"W1_{l}"] = W1
        inp[f"b1_{l}"] = b1
        inp[f"W2_{l}"] = W2
        inp[f"b2_{l}"] = b2
        inp[f"g_{l}"] = jnp.ones((H,), jnp.float32)
        inp[f"be_{l}"] = jnp.zeros((H,), jnp.float32)
    inp["lin1_W"], inp["lin1_b"] = _lin(ks[8], H, 3 * H)
    inp["lin2_W"], inp["lin2_b"] = _lin(ks[9], 2, H)
    return inp


def _gin_conv(h, edge_index, W1, b1, W2, b2, g, be):
    # GINConv, eps=0 (train_eps=False): out = MLP((1+eps)*x + sum_{j->i} x_j)
    src = edge_index[0]
    dst = edge_index[1]
    msg = jnp.take(h, src, axis=0)
    agg = jnp.zeros_like(h).at[dst].add(msg)
    z = h + agg
    z = jax.nn.relu(z @ W1.T + b1)
    z = jax.nn.relu(z @ W2.T + b2)
    # BatchNorm1d in eval mode: running_mean=0, running_var=1
    z = z * (g / jnp.sqrt(1.0 + BN_EPS)) + be
    return z


def reference(x, edge_index, emb,
              W1_0, b1_0, W2_0, b2_0, g_0, be_0,
              W1_1, b1_1, W2_1, b2_1, g_1, be_1,
              W1_2, b1_2, W2_2, b2_2, g_2, be_2,
              lin1_W, lin1_b, lin2_W, lin2_b):
    h = jnp.take(emb, x, axis=0)
    layers = [
        (W1_0, b1_0, W2_0, b2_0, g_0, be_0),
        (W1_1, b1_1, W2_1, b2_1, g_1, be_1),
        (W1_2, b1_2, W2_2, b2_2, g_2, be_2),
    ]
    xs = []
    for (W1, b1, W2, b2, g, be) in layers:
        h = _gin_conv(h, edge_index, W1, b1, W2, b2, g, be)
        xs.append(h)
    hc = jnp.concatenate(xs, axis=1)  # jk=True
    o = jax.nn.relu(hc @ lin1_W.T + lin1_b)
    # dropout is identity in eval mode
    o = o @ lin2_W.T + lin2_b
    return o

if __name__ == "__main__":
    import jax
    _d = setup_inputs()
    print(jax.jit(kernel)(*tuple(_d.values())))

</pallas_src>

<mosaic_0001>
#map = affine_map<(d0, d1) -> (0, 0, 0)>
#map1 = affine_map<(d0, d1) -> (0, 0)>
module attributes {stable_mosaic.version = 14 : i64} {
  func.func @_gather_body(%arg0: i32, %arg1: i32, %arg2: memref<32x4x80xi32, #tpu.memory_space<hbm>>, %arg3: memref<10000x128xf32, #tpu.memory_space<hbm>>, %arg4: memref<10240x128xf32, #tpu.memory_space<hbm>>, %arg5: memref<4x80xi32, #tpu.memory_space<vmem>>, %arg6: memref<80x128xf32, #tpu.memory_space<vmem>>, %arg7: memref<80x128xf32, #tpu.memory_space<vmem>>, %arg8: memref<80x128xf32, #tpu.memory_space<vmem>>, %arg9: memref<80x128xf32, #tpu.memory_space<vmem>>, %arg10: memref<!tpu.dma_semaphore, #tpu.memory_space<semaphore_mem>>, %arg11: memref<!tpu.dma_semaphore, #tpu.memory_space<semaphore_mem>>, %arg12: memref<!tpu.dma_semaphore, #tpu.memory_space<semaphore_mem>>, %arg13: memref<!tpu.dma_semaphore, #tpu.memory_space<semaphore_mem>>) attributes {dimension_semantics = [#tpu.dimension_semantics<core_parallel>, #tpu.dimension_semantics<subcore_parallel>], iteration_bounds = array<i64: 2, 16>, scalar_prefetch = 0 : i64, scratch_operands = 9 : i64, tpu.core_type = #tpu.core_type<sc_vector_subcore>, window_params = [{transform_indices = #map}, {transform_indices = #map1}, {transform_indices = #map1}]} {
    %mul3A = arith.constant 2 : i32
    %mul3A_0 = arith.muli %arg1, %mul3A : i32
    %add3A = arith.addi %mul3A_0, %arg0 : i32
    "tpu.region"() ({
      %run_scoped3A = tpu.sem_alloc : memref<!tpu.dma_semaphore, #tpu.memory_space<semaphore_mem>>
      %dma_start3A_71 = arith.constant 0 : i32
      %dma_start3A_72 = arith.constant 0 : i32
      %dma_start3A_73 = tpu.memref_slice %arg2[%add3A, %dma_start3A_71, %dma_start3A_72] : memref<32x4x80xi32, #tpu.memory_space<hbm>> -> memref<1x4x80xi32, #tpu.memory_space<hbm>>
      %dma_start3A_74 = tpu.memref_squeeze %dma_start3A_73 : memref<1x4x80xi32, #tpu.memory_space<hbm>> -> memref<4x80xi32, #tpu.memory_space<hbm>>
      %dma_start3A_75 = arith.constant 0 : i32
      %dma_start3A_76 = arith.constant 0 : i32
      %dma_start3A_77 = tpu.memref_slice %arg2[%add3A, %dma_start3A_75, %dma_start3A_76] : memref<32x4x80xi32, #tpu.memory_space<hbm>> -> memref<1x4x80xi32, #tpu.memory_space<hbm>>
      %dma_start3A_78 = tpu.memref_squeeze %dma_start3A_77 : memref<1x4x80xi32, #tpu.memory_space<hbm>> -> memref<4x80xi32, #tpu.memory_space<hbm>>
      tpu.enqueue_dma source(%dma_start3A_78 : memref<4x80xi32, #tpu.memory_space<hbm>>) target(%arg5 : memref<4x80xi32, #tpu.memory_space<vmem>>) target_semaphore(%run_scoped3A : memref<!tpu.dma_semaphore, #tpu.memory_space<semaphore_mem>>)
      %dma_wait3A_79 = arith.constant 0 : i32
      %dma_wait3A_80 = arith.constant 0 : i32
      %dma_wait3A_81 = tpu.memref_slice %arg2[%add3A, %dma_wait3A_79, %dma_wait3A_80] : memref<32x4x80xi32, #tpu.memory_space<hbm>> -> memref<1x4x80xi32, #tpu.memory_space<hbm>>
      %dma_wait3A_82 = tpu.memref_squeeze %dma_wait3A_81 : memref<1x4x80xi32, #tpu.memory_space<hbm>> -> memref<4x80xi32, #tpu.memory_space<hbm>>
      %dma_wait3A_83 = arith.constant 0 : i32
      %dma_wait3A_84 = arith.constant 0 : i32
      %dma_wait3A_85 = tpu.memref_slice %arg2[%add3A, %dma_wait3A_83, %dma_wait3A_84] : memref<32x4x80xi32, #tpu.memory_space<hbm>> -> memref<1x4x80xi32, #tpu.memory_space<hbm>>
      %dma_wait3A_86 = tpu.memref_squeeze %dma_wait3A_85 : memref<1x4x80xi32, #tpu.memory_space<hbm>> -> memref<4x80xi32, #tpu.memory_space<hbm>>
      tpu.wait_dma2 semaphore(%run_scoped3A : memref<!tpu.dma_semaphore, #tpu.memory_space<semaphore_mem>>) src(%dma_wait3A_86 : memref<4x80xi32, #tpu.memory_space<hbm>>) dst(%arg5 : memref<4x80xi32, #tpu.memory_space<vmem>>)
      tpu.yield
    }) : () -> ()
    %dma_start3A = arith.constant 0 : i32
    %dma_start3A_1 = arith.constant 0 : i32
    %dma_start3A_2 = tpu.memref_slice %arg5[%dma_start3A, %dma_start3A_1] : memref<4x80xi32, #tpu.memory_space<vmem>> -> memref<1x80xi32, #tpu.memory_space<vmem>>
    %dma_start3A_3 = tpu.memref_squeeze %dma_start3A_2 : memref<1x80xi32, #tpu.memory_space<vmem>> -> memref<80xi32, #tpu.memory_space<vmem>>
    %dma_start3A_4 = arith.constant 0 : i32
    %dma_start3A_5 = arith.constant 0 : i32
    %dma_start3A_6 = tpu.memref_slice %arg3[%dma_start3A_4, %dma_start3A_5] : memref<10000x128xf32, #tpu.memory_space<hbm>> -> memref<10000x128xf32, #tpu.memory_space<hbm>>
    tpu.enqueue_indirect_dma source(%dma_start3A_6 : memref<10000x128xf32, #tpu.memory_space<hbm>>) target(%arg6 : memref<80x128xf32, #tpu.memory_space<vmem>>) offsets(%dma_start3A_3 : memref<80xi32, #tpu.memory_space<vmem>>) semaphore(%arg10 : memref<!tpu.dma_semaphore, #tpu.memory_space<semaphore_mem>>)
    %dma_start3A_7 = arith.constant 1 : i32
    %dma_start3A_8 = arith.constant 0 : i32
    %dma_start3A_9 = tpu.memref_slice %arg5[%dma_start3A_7, %dma_start3A_8] : memref<4x80xi32, #tpu.memory_space<vmem>> -> memref<1x80xi32, #tpu.memory_space<vmem>>
    %dma_start3A_10 = tpu.memref_squeeze %dma_start3A_9 : memref<1x80xi32, #tpu.memory_space<vmem>> -> memref<80xi32, #tpu.memory_space<vmem>>
    %dma_start3A_11 = arith.constant 0 : i32
    %dma_start3A_12 = arith.constant 0 : i32
    %dma_start3A_13 = tpu.memref_slice %arg3[%dma_start3A_11, %dma_start3A_12] : memref<10000x128xf32, #tpu.memory_space<hbm>> -> memref<10000x128xf32, #tpu.memory_space<hbm>>
    tpu.enqueue_indirect_dma source(%dma_start3A_13 : memref<10000x128xf32, #tpu.memory_space<hbm>>) target(%arg7 : memref<80x128xf32, #tpu.memory_space<vmem>>) offsets(%dma_start3A_10 : memref<80xi32, #tpu.memory_space<vmem>>) semaphore(%arg11 : memref<!tpu.dma_semaphore, #tpu.memory_space<semaphore_mem>>)
    %dma_start3A_14 = arith.constant 2 : i32
    %dma_start3A_15 = arith.constant 0 : i32
    %dma_start3A_16 = tpu.memref_slice %arg5[%dma_start3A_14, %dma_start3A_15] : memref<4x80xi32, #tpu.memory_space<vmem>> -> memref<1x80xi32, #tpu.memory_space<vmem>>
    %dma_start3A_17 = tpu.memref_squeeze %dma_start3A_16 : memref<1x80xi32, #tpu.memory_space<vmem>> -> memref<80xi32, #tpu.memory_space<vmem>>
    %dma_start3A_18 = arith.constant 0 : i32
    %dma_start3A_19 = arith.constant 0 : i32
    %dma_start3A_20 = tpu.memref_slice %arg3[%dma_start3A_18, %dma_start3A_19] : memref<10000x128xf32, #tpu.memory_space<hbm>> -> memref<10000x128xf32, #tpu.memory_space<hbm>>
    tpu.enqueue_indirect_dma source(%dma_start3A_20 : memref<10000x128xf32, #tpu.memory_space<hbm>>) target(%arg8 : memref<80x128xf32, #tpu.memory_space<vmem>>) offsets(%dma_start3A_17 : memref<80xi32, #tpu.memory_space<vmem>>) semaphore(%arg12 : memref<!tpu.dma_semaphore, #tpu.memory_space<semaphore_mem>>)
    %dma_start3A_21 = arith.constant 3 : i32
    %dma_start3A_22 = arith.constant 0 : i32
    %dma_start3A_23 = tpu.memref_slice %arg5[%dma_start3A_21, %dma_start3A_22] : memref<4x80xi32, #tpu.memory_space<vmem>> -> memref<1x80xi32, #tpu.memory_space<vmem>>
    %dma_start3A_24 = tpu.memref_squeeze %dma_start3A_23 : memref<1x80xi32, #tpu.memory_space<vmem>> -> memref<80xi32, #tpu.memory_space<vmem>>
    %dma_start3A_25 = arith.constant 0 : i32
    %dma_start3A_26 = arith.constant 0 : i32
    %dma_start3A_27 = tpu.memref_slice %arg3[%dma_start3A_25, %dma_start3A_26] : memref<10000x128xf32, #tpu.memory_space<hbm>> -> memref<10000x128xf32, #tpu.memory_space<hbm>>
    tpu.enqueue_indirect_dma source(%dma_start3A_27 : memref<10000x128xf32, #tpu.memory_space<hbm>>) target(%arg9 : memref<80x128xf32, #tpu.memory_space<vmem>>) offsets(%dma_start3A_24 : memref<80xi32, #tpu.memory_space<vmem>>) semaphore(%arg13 : memref<!tpu.dma_semaphore, #tpu.memory_space<semaphore_mem>>)
    %dma_wait3A = arith.constant 0 : i32
    %dma_wait3A_28 = arith.constant 0 : i32
    %dma_wait3A_29 = tpu.memref_slice %arg5[%dma_wait3A, %dma_wait3A_28] : memref<4x80xi32, #tpu.memory_space<vmem>> -> memref<1x80xi32, #tpu.memory_space<vmem>>
    %dma_wait3A_30 = tpu.memref_squeeze %dma_wait3A_29 : memref<1x80xi32, #tpu.memory_space<vmem>> -> memref<80xi32, #tpu.memory_space<vmem>>
    %dma_wait3A_31 = arith.constant 0 : i32
    %dma_wait3A_32 = arith.constant 0 : i32
    %dma_wait3A_33 = tpu.memref_slice %arg3[%dma_wait3A_31, %dma_wait3A_32] : memref<10000x128xf32, #tpu.memory_space<hbm>> -> memref<10000x128xf32, #tpu.memory_space<hbm>>
    tpu.wait_indirect_dma semaphore(%arg10 : memref<!tpu.dma_semaphore, #tpu.memory_space<semaphore_mem>>) src(%dma_wait3A_33 : memref<10000x128xf32, #tpu.memory_space<hbm>>) dst(%arg6 : memref<80x128xf32, #tpu.memory_space<vmem>>)
    %mul3A_34 = arith.constant 320 : i32
    %mul3A_35 = arith.muli %add3A, %mul3A_34 : i32
    %add3A_36 = arith.constant 0 : i32
    %add3A_37 = arith.addi %mul3A_35, %add3A_36 : i32
    "tpu.region"() ({
      %run_scoped3A = tpu.sem_alloc : memref<!tpu.dma_semaphore, #tpu.memory_space<semaphore_mem>>
      %dma_start3A_71 = arith.constant 0 : i32
      %dma_start3A_72 = tpu.memref_slice %arg4[%add3A_37, %dma_start3A_71] : memref<10240x128xf32, #tpu.memory_space<hbm>> -> memref<80x128xf32, #tpu.memory_space<hbm>>
      %dma_start3A_73 = arith.constant 0 : i32
      %dma_start3A_74 = tpu.memref_slice %arg4[%add3A_37, %dma_start3A_73] : memref<10240x128xf32, #tpu.memory_space<hbm>> -> memref<80x128xf32, #tpu.memory_space<hbm>>
      tpu.enqueue_dma source(%arg6 : memref<80x128xf32, #tpu.memory_space<vmem>>) target(%dma_start3A_74 : memref<80x128xf32, #tpu.memory_space<hbm>>) target_semaphore(%run_scoped3A : memref<!tpu.dma_semaphore, #tpu.memory_space<semaphore_mem>>)
      %dma_wait3A_75 = arith.constant 0 : i32
      %dma_wait3A_76 = tpu.memref_slice %arg4[%add3A_37, %dma_wait3A_75] : memref<10240x128xf32, #tpu.memory_space<hbm>> -> memref<80x128xf32, #tpu.memory_space<hbm>>
      %dma_wait3A_77 = arith.constant 0 : i32
      %dma_wait3A_78 = tpu.memref_slice %arg4[%add3A_37, %dma_wait3A_77] : memref<10240x128xf32, #tpu.memory_space<hbm>> -> memref<80x128xf32, #tpu.memory_space<hbm>>
      tpu.wait_dma2 semaphore(%run_scoped3A : memref<!tpu.dma_semaphore, #tpu.memory_space<semaphore_mem>>) src(%arg6 : memref<80x128xf32, #tpu.memory_space<vmem>>) dst(%dma_wait3A_78 : memref<80x128xf32, #tpu.memory_space<hbm>>)
      tpu.yield
    }) : () -> ()
    %dma_wait3A_38 = arith.constant 1 : i32
    %dma_wait3A_39 = arith.constant 0 : i32
    %dma_wait3A_40 = tpu.memref_slice %arg5[%dma_wait3A_38, %dma_wait3A_39] : memref<4x80xi32, #tpu.memory_space<vmem>> -> memref<1x80xi32, #tpu.memory_space<vmem>>
    %dma_wait3A_41 = tpu.memref_squeeze %dma_wait3A_40 : memref<1x80xi32, #tpu.memory_space<vmem>> -> memref<80xi32, #tpu.memory_space<vmem>>
    %dma_wait3A_42 = arith.constant 0 : i32
    %dma_wait3A_43 = arith.constant 0 : i32
    %dma_wait3A_44 = tpu.memref_slice %arg3[%dma_wait3A_42, %dma_wait3A_43] : memref<10000x128xf32, #tpu.memory_space<hbm>> -> memref<10000x128xf32, #tpu.memory_space<hbm>>
    tpu.wait_indirect_dma semaphore(%arg11 : memref<!tpu.dma_semaphore, #tpu.memory_space<semaphore_mem>>) src(%dma_wait3A_44 : memref<10000x128xf32, #tpu.memory_space<hbm>>) dst(%arg7 : memref<80x128xf32, #tpu.memory_space<vmem>>)
    %mul3A_45 = arith.constant 320 : i32
    %mul3A_46 = arith.muli %add3A, %mul3A_45 : i32
    %add3A_47 = arith.constant 80 : i32
    %add3A_48 = arith.addi %mul3A_46, %add3A_47 : i32
    "tpu.region"() ({
      %run_scoped3A = tpu.sem_alloc : memref<!tpu.dma_semaphore, #tpu.memory_space<semaphore_mem>>
      %dma_start3A_71 = arith.constant 0 : i32
      %dma_start3A_72 = tpu.memref_slice %arg4[%add3A_48, %dma_start3A_71] : memref<10240x128xf32, #tpu.memory_space<hbm>> -> memref<80x128xf32, #tpu.memory_space<hbm>>
      %dma_start3A_73 = arith.constant 0 : i32
      %dma_start3A_74 = tpu.memref_slice %arg4[%add3A_48, %dma_start3A_73] : memref<10240x128xf32, #tpu.memory_space<hbm>> -> memref<80x128xf32, #tpu.memory_space<hbm>>
      tpu.enqueue_dma source(%arg7 : memref<80x128xf32, #tpu.memory_space<vmem>>) target(%dma_start3A_74 : memref<80x128xf32, #tpu.memory_space<hbm>>) target_semaphore(%run_scoped3A : memref<!tpu.dma_semaphore, #tpu.memory_space<semaphore_mem>>)
      %dma_wait3A_75 = arith.constant 0 : i32
      %dma_wait3A_76 = tpu.memref_slice %arg4[%add3A_48, %dma_wait3A_75] : memref<10240x128xf32, #tpu.memory_space<hbm>> -> memref<80x128xf32, #tpu.memory_space<hbm>>
      %dma_wait3A_77 = arith.constant 0 : i32
      %dma_wait3A_78 = tpu.memref_slice %arg4[%add3A_48, %dma_wait3A_77] : memref<10240x128xf32, #tpu.memory_space<hbm>> -> memref<80x128xf32, #tpu.memory_space<hbm>>
      tpu.wait_dma2 semaphore(%run_scoped3A : memref<!tpu.dma_semaphore, #tpu.memory_space<semaphore_mem>>) src(%arg7 : memref<80x128xf32, #tpu.memory_space<vmem>>) dst(%dma_wait3A_78 : memref<80x128xf32, #tpu.memory_space<hbm>>)
      tpu.yield
    }) : () -> ()
    %dma_wait3A_49 = arith.constant 2 : i32
    %dma_wait3A_50 = arith.constant 0 : i32
    %dma_wait3A_51 = tpu.memref_slice %arg5[%dma_wait3A_49, %dma_wait3A_50] : memref<4x80xi32, #tpu.memory_space<vmem>> -> memref<1x80xi32, #tpu.memory_space<vmem>>
    %dma_wait3A_52 = tpu.memref_squeeze %dma_wait3A_51 : memref<1x80xi32, #tpu.memory_space<vmem>> -> memref<80xi32, #tpu.memory_space<vmem>>
    %dma_wait3A_53 = arith.constant 0 : i32
    %dma_wait3A_54 = arith.constant 0 : i32
    %dma_wait3A_55 = tpu.memref_slice %arg3[%dma_wait3A_53, %dma_wait3A_54] : memref<10000x128xf32, #tpu.memory_space<hbm>> -> memref<10000x128xf32, #tpu.memory_space<hbm>>
    tpu.wait_indirect_dma semaphore(%arg12 : memref<!tpu.dma_semaphore, #tpu.memory_space<semaphore_mem>>) src(%dma_wait3A_55 : memref<10000x128xf32, #tpu.memory_space<hbm>>) dst(%arg8 : memref<80x128xf32, #tpu.memory_space<vmem>>)
    %mul3A_56 = arith.constant 320 : i32
    %mul3A_57 = arith.muli %add3A, %mul3A_56 : i32
    %add3A_58 = arith.constant 160 : i32
    %add3A_59 = arith.addi %mul3A_57, %add3A_58 : i32
    "tpu.region"() ({
      %run_scoped3A = tpu.sem_alloc : memref<!tpu.dma_semaphore, #tpu.memory_space<semaphore_mem>>
      %dma_start3A_71 = arith.constant 0 : i32
      %dma_start3A_72 = tpu.memref_slice %arg4[%add3A_59, %dma_start3A_71] : memref<10240x128xf32, #tpu.memory_space<hbm>> -> memref<80x128xf32, #tpu.memory_space<hbm>>
      %dma_start3A_73 = arith.constant 0 : i32
      %dma_start3A_74 = tpu.memref_slice %arg4[%add3A_59, %dma_start3A_73] : memref<10240x128xf32, #tpu.memory_space<hbm>> -> memref<80x128xf32, #tpu.memory_space<hbm>>
      tpu.enqueue_dma source(%arg8 : memref<80x128xf32, #tpu.memory_space<vmem>>) target(%dma_start3A_74 : memref<80x128xf32, #tpu.memory_space<hbm>>) target_semaphore(%run_scoped3A : memref<!tpu.dma_semaphore, #tpu.memory_space<semaphore_mem>>)
      %dma_wait3A_75 = arith.constant 0 : i32
      %dma_wait3A_76 = tpu.memref_slice %arg4[%add3A_59, %dma_wait3A_75] : memref<10240x128xf32, #tpu.memory_space<hbm>> -> memref<80x128xf32, #tpu.memory_space<hbm>>
      %dma_wait3A_77 = arith.constant 0 : i32
      %dma_wait3A_78 = tpu.memref_slice %arg4[%add3A_59, %dma_wait3A_77] : memref<10240x128xf32, #tpu.memory_space<hbm>> -> memref<80x128xf32, #tpu.memory_space<hbm>>
      tpu.wait_dma2 semaphore(%run_scoped3A : memref<!tpu.dma_semaphore, #tpu.memory_space<semaphore_mem>>) src(%arg8 : memref<80x128xf32, #tpu.memory_space<vmem>>) dst(%dma_wait3A_78 : memref<80x128xf32, #tpu.memory_space<hbm>>)
      tpu.yield
    }) : () -> ()
    %dma_wait3A_60 = arith.constant 3 : i32
    %dma_wait3A_61 = arith.constant 0 : i32
    %dma_wait3A_62 = tpu.memref_slice %arg5[%dma_wait3A_60, %dma_wait3A_61] : memref<4x80xi32, #tpu.memory_space<vmem>> -> memref<1x80xi32, #tpu.memory_space<vmem>>
    %dma_wait3A_63 = tpu.memref_squeeze %dma_wait3A_62 : memref<1x80xi32, #tpu.memory_space<vmem>> -> memref<80xi32, #tpu.memory_space<vmem>>
    %dma_wait3A_64 = arith.constant 0 : i32
    %dma_wait3A_65 = arith.constant 0 : i32
    %dma_wait3A_66 = tpu.memref_slice %arg3[%dma_wait3A_64, %dma_wait3A_65] : memref<10000x128xf32, #tpu.memory_space<hbm>> -> memref<10000x128xf32, #tpu.memory_space<hbm>>
    tpu.wait_indirect_dma semaphore(%arg13 : memref<!tpu.dma_semaphore, #tpu.memory_space<semaphore_mem>>) src(%dma_wait3A_66 : memref<10000x128xf32, #tpu.memory_space<hbm>>) dst(%arg9 : memref<80x128xf32, #tpu.memory_space<vmem>>)
    %mul3A_67 = arith.constant 320 : i32
    %mul3A_68 = arith.muli %add3A, %mul3A_67 : i32
    %add3A_69 = arith.constant 240 : i32
    %add3A_70 = arith.addi %mul3A_68, %add3A_69 : i32
    "tpu.region"() ({
      %run_scoped3A = tpu.sem_alloc : memref<!tpu.dma_semaphore, #tpu.memory_space<semaphore_mem>>
      %dma_start3A_71 = arith.constant 0 : i32
      %dma_start3A_72 = tpu.memref_slice %arg4[%add3A_70, %dma_start3A_71] : memref<10240x128xf32, #tpu.memory_space<hbm>> -> memref<80x128xf32, #tpu.memory_space<hbm>>
      %dma_start3A_73 = arith.constant 0 : i32
      %dma_start3A_74 = tpu.memref_slice %arg4[%add3A_70, %dma_start3A_73] : memref<10240x128xf32, #tpu.memory_space<hbm>> -> memref<80x128xf32, #tpu.memory_space<hbm>>
      tpu.enqueue_dma source(%arg9 : memref<80x128xf32, #tpu.memory_space<vmem>>) target(%dma_start3A_74 : memref<80x128xf32, #tpu.memory_space<hbm>>) target_semaphore(%run_scoped3A : memref<!tpu.dma_semaphore, #tpu.memory_space<semaphore_mem>>)
      %dma_wait3A_75 = arith.constant 0 : i32
      %dma_wait3A_76 = tpu.memref_slice %arg4[%add3A_70, %dma_wait3A_75] : memref<10240x128xf32, #tpu.memory_space<hbm>> -> memref<80x128xf32, #tpu.memory_space<hbm>>
      %dma_wait3A_77 = arith.constant 0 : i32
      %dma_wait3A_78 = tpu.memref_slice %arg4[%add3A_70, %dma_wait3A_77] : memref<10240x128xf32, #tpu.memory_space<hbm>> -> memref<80x128xf32, #tpu.memory_space<hbm>>
      tpu.wait_dma2 semaphore(%run_scoped3A : memref<!tpu.dma_semaphore, #tpu.memory_space<semaphore_mem>>) src(%arg9 : memref<80x128xf32, #tpu.memory_space<vmem>>) dst(%dma_wait3A_78 : memref<80x128xf32, #tpu.memory_space<hbm>>)
      tpu.yield
    }) : () -> ()
    return
  }
}

#map = affine_map<(d0, d1) -> (0)>
#map1 = affine_map<(d0, d1) -> (0, 0)>
module attributes {stable_mosaic.version = 14 : i64} {
  func.func @_agg_body(%arg0: i32, %arg1: i32, %arg2: memref<327680xi32, #tpu.memory_space<hbm>>, %arg3: memref<327680xi32, #tpu.memory_space<hbm>>, %arg4: memref<10000x128xf32, #tpu.memory_space<hbm>>, %arg5: memref<20480x128xf32, #tpu.memory_space<hbm>>, %arg6: memref<128xi32, #tpu.memory_space<vmem>>, %arg7: memref<128xi32, #tpu.memory_space<vmem>>, %arg8: memref<128xi32, #tpu.memory_space<vmem>>, %arg9: memref<128xi32, #tpu.memory_space<vmem>>, %arg10: memref<128x128xf32, #tpu.memory_space<vmem>>, %arg11: memref<128x128xf32, #tpu.memory_space<vmem>>, %arg12: memref<10240x128xf32, #tpu.memory_space<vmem_shared>>, %arg13: memref<!tpu.dma_semaphore, #tpu.memory_space<semaphore_mem>>, %arg14: memref<!tpu.dma_semaphore, #tpu.memory_space<semaphore_mem>>, %arg15: memref<!tpu.dma_semaphore, #tpu.memory_space<semaphore_mem>>, %arg16: memref<!tpu.dma_semaphore, #tpu.memory_space<semaphore_mem>>) attributes {dimension_semantics = [#tpu.dimension_semantics<core_parallel>, #tpu.dimension_semantics<subcore_parallel>], iteration_bounds = array<i64: 2, 16>, scalar_prefetch = 0 : i64, scratch_operands = 11 : i64, tpu.core_type = #tpu.core_type<sc_vector_subcore>, window_params = [{transform_indices = #map}, {transform_indices = #map}, {transform_indices = #map1}, {transform_indices = #map1}]} {
    %mul3A = arith.constant 2 : i32
    %mul3A_0 = arith.muli %arg1, %mul3A : i32
    %add3A = arith.addi %mul3A_0, %arg0 : i32
    %mul3A_1 = arith.constant 10240 : i32
    %mul3A_2 = arith.muli %add3A, %mul3A_1 : i32
    %scan3A = arith.constant 0 : i32
    %scan3A_3 = arith.constant 128 : i32
    %scan3A_4 = arith.addi %scan3A, %scan3A_3 : i32
    %scan3A_5 = arith.constant 1 : i32
    scf.for %scan3A_96 = %scan3A to %scan3A_4 step %scan3A_5  : i32 {
      %broadcast_in_dim3A = arith.constant 0.000000e+00 : f32
      %broadcast_in_dim3A_97 = vector.broadcast %broadcast_in_dim3A : f32 to vector<16xf32>
      %swap3A = arith.index_cast %scan3A_96 : i32 to index
      %swap3A_98 = arith.constant 0 : index
      %swap3A_99 = tpu.vector_load %arg10[%swap3A, %swap3A_98] {strides = array<i32>} : memref<128x128xf32, #tpu.memory_space<vmem>>, vector<1x16xf32>,
      %swap3A_100 = vector.shape_cast %swap3A_99 : vector<1x16xf32> to vector<16xf32>
      %swap3A_101 = vector.shape_cast %broadcast_in_dim3A_97 : vector<16xf32> to vector<1x16xf32>
      tpu.vector_store %arg10[%swap3A, %swap3A_98], %swap3A_101 {strides = array<i32>} : memref<128x128xf32, #tpu.memory_space<vmem>>, vector<1x16xf32>,
      %broadcast_in_dim3A_102 = arith.constant 0.000000e+00 : f32
      %broadcast_in_dim3A_103 = vector.broadcast %broadcast_in_dim3A_102 : f32 to vector<16xf32>
      %swap3A_104 = arith.index_cast %scan3A_96 : i32 to index
      %swap3A_105 = arith.constant 16 : index
      %swap3A_106 = tpu.vector_load %arg10[%swap3A_104, %swap3A_105] {strides = array<i32>} : memref<128x128xf32, #tpu.memory_space<vmem>>, vector<1x16xf32>,
      %swap3A_107 = vector.shape_cast %swap3A_106 : vector<1x16xf32> to vector<16xf32>
      %swap3A_108 = vector.shape_cast %broadcast_in_dim3A_103 : vector<16xf32> to vector<1x16xf32>
      tpu.vector_store %arg10[%swap3A_104, %swap3A_105], %swap3A_108 {strides = array<i32>} : memref<128x128xf32, #tpu.memory_space<vmem>>, vector<1x16xf32>,
      %broadcast_in_dim3A_109 = arith.constant 0.000000e+00 : f32
      %broadcast_in_dim3A_110 = vector.broadcast %broadcast_in_dim3A_109 : f32 to vector<16xf32>
      %swap3A_111 = arith.index_cast %scan3A_96 : i32 to index
      %swap3A_112 = arith.constant 32 : index
      %swap3A_113 = tpu.vector_load %arg10[%swap3A_111, %swap3A_112] {strides = array<i32>} : memref<128x128xf32, #tpu.memory_space<vmem>>, vector<1x16xf32>,
      %swap3A_114 = vector.shape_cast %swap3A_113 : vector<1x16xf32> to vector<16xf32>
      %swap3A_115 = vector.shape_cast %broadcast_in_dim3A_110 : vector<16xf32> to vector<1x16xf32>
      tpu.vector_store %arg10[%swap3A_111, %swap3A_112], %swap3A_115 {strides = array<i32>} : memref<128x128xf32, #tpu.memory_space<vmem>>, vector<1x16xf32>,
      %broadcast_in_dim3A_116 = arith.constant 0.000000e+00 : f32
      %broadcast_in_dim3A_117 = vector.broadcast %broadcast_in_dim3A_116 : f32 to vector<16xf32>
      %swap3A_118 = arith.index_cast %scan3A_96 : i32 to index
      %swap3A_119 = arith.constant 48 : index
      %swap3A_120 = tpu.vector_load %arg10[%swap3A_118, %swap3A_119] {strides = array<i32>} : memref<128x128xf32, #tpu.memory_space<vmem>>, vector<1x16xf32>,
      %swap3A_121 = vector.shape_cast %swap3A_120 : vector<1x16xf32> to vector<16xf32>
      %swap3A_122 = vector.shape_cast %broadcast_in_dim3A_117 : vector<16xf32> to vector<1x16xf32>
      tpu.vector_store %arg10[%swap3A_118, %swap3A_119], %swap3A_122 {strides = array<i32>} : memref<128x128xf32, #tpu.memory_space<vmem>>, vector<1x16xf32>,
      %broadcast_in_dim3A_123 = arith.constant 0.000000e+00 : f32
      %broadcast_in_dim3A_124 = vector.broadcast %broadcast_in_dim3A_123 : f32 to vector<16xf32>
      %swap3A_125 = arith.index_cast %scan3A_96 : i32 to index
      %swap3A_126 = arith.constant 64 : index
      %swap3A_127 = tpu.vector_load %arg10[%swap3A_125, %swap3A_126] {strides = array<i32>} : memref<128x128xf32, #tpu.memory_space<vmem>>, vector<1x16xf32>,
      %swap3A_128 = vector.shape_cast %swap3A_127 : vector<1x16xf32> to vector<16xf32>
      %swap3A_129 = vector.shape_cast %broadcast_in_dim3A_124 : vector<16xf32> to vector<1x16xf32>
      tpu.vector_store %arg10[%swap3A_125, %swap3A_126], %swap3A_129 {strides = array<i32>} : memref<128x128xf32, #tpu.memory_space<vmem>>, vector<1x16xf32>,
      %broadcast_in_dim3A_130 = arith.constant 0.000000e+00 : f32
      %broadcast_in_dim3A_131 = vector.broadcast %broadcast_in_dim3A_130 : f32 to vector<16xf32>
      %swap3A_132 = arith.index_cast %scan3A_96 : i32 to index
      %swap3A_133 = arith.constant 80 : index
      %swap3A_134 = tpu.vector_load %arg10[%swap3A_132, %swap3A_133] {strides = array<i32>} : memref<128x128xf32, #tpu.memory_space<vmem>>, vector<1x16xf32>,
      %swap3A_135 = vector.shape_cast %swap3A_134 : vector<1x16xf32> to vector<16xf32>
      %swap3A_136 = vector.shape_cast %broadcast_in_dim3A_131 : vector<16xf32> to vector<1x16xf32>
      tpu.vector_store %arg10[%swap3A_132, %swap3A_133], %swap3A_136 {strides = array<i32>} : memref<128x128xf32, #tpu.memory_space<vmem>>, vector<1x16xf32>,
      %broadcast_in_dim3A_137 = arith.constant 0.000000e+00 : f32
      %broadcast_in_dim3A_138 = vector.broadcast %broadcast_in_dim3A_137 : f32 to vector<16xf32>
      %swap3A_139 = arith.index_cast %scan3A_96 : i32 to index
      %swap3A_140 = arith.constant 96 : index
      %swap3A_141 = tpu.vector_load %arg10[%swap3A_139, %swap3A_140] {strides = array<i32>} : memref<128x128xf32, #tpu.memory_space<vmem>>, vector<1x16xf32>,
      %swap3A_142 = vector.shape_cast %swap3A_141 : vector<1x16xf32> to vector<16xf32>
      %swap3A_143 = vector.shape_cast %broadcast_in_dim3A_138 : vector<16xf32> to vector<1x16xf32>
      tpu.vector_store %arg10[%swap3A_139, %swap3A_140], %swap3A_143 {strides = array<i32>} : memref<128x128xf32, #tpu.memory_space<vmem>>, vector<1x16xf32>,
      %broadcast_in_dim3A_144 = arith.constant 0.000000e+00 : f32
      %broadcast_in_dim3A_145 = vector.broadcast %broadcast_in_dim3A_144 : f32 to vector<16xf32>
      %swap3A_146 = arith.index_cast %scan3A_96 : i32 to index
      %swap3A_147 = arith.constant 112 : index
      %swap3A_148 = tpu.vector_load %arg10[%swap3A_146, %swap3A_147] {strides = array<i32>} : memref<128x128xf32, #tpu.memory_space<vmem>>, vector<1x16xf32>,
      %swap3A_149 = vector.shape_cast %swap3A_148 : vector<1x16xf32> to vector<16xf32>
      %swap3A_150 = vector.shape_cast %broadcast_in_dim3A_145 : vector<16xf32> to vector<1x16xf32>
      tpu.vector_store %arg10[%swap3A_146, %swap3A_147], %swap3A_150 {strides = array<i32>} : memref<128x128xf32, #tpu.memory_space<vmem>>, vector<1x16xf32>,
    }
    %scan3A_6 = arith.constant 128 : i32
    %mul3A_7 = arith.constant 640 : i32
    %mul3A_8 = arith.muli %arg1, %mul3A_7 : i32
    %add3A_9 = arith.constant 0 : i32
    %add3A_10 = arith.addi %mul3A_8, %add3A_9 : i32
    "tpu.region"() ({
      %run_scoped3A = tpu.sem_alloc : memref<!tpu.dma_semaphore, #tpu.memory_space<semaphore_mem>>
      %dma_start3A = arith.constant 0 : i32
      %dma_start3A_96 = tpu.memref_slice %arg12[%add3A_10, %dma_start3A] : memref<10240x128xf32, #tpu.memory_space<vmem_shared>> -> memref<128x128xf32, #tpu.memory_space<vmem_shared>>
      %dma_start3A_97 = arith.constant 0 : i32
      %dma_start3A_98 = tpu.memref_slice %arg12[%add3A_10, %dma_start3A_97] : memref<10240x128xf32, #tpu.memory_space<vmem_shared>> -> memref<128x128xf32, #tpu.memory_space<vmem_shared>>
      tpu.enqueue_dma source(%arg10 : memref<128x128xf32, #tpu.memory_space<vmem>>) target(%dma_start3A_98 : memref<128x128xf32, #tpu.memory_space<vmem_shared>>) target_semaphore(%run_scoped3A : memref<!tpu.dma_semaphore, #tpu.memory_space<semaphore_mem>>)
      %dma_wait3A = arith.constant 0 : i32
      %dma_wait3A_99 = tpu.memref_slice %arg12[%add3A_10, %dma_wait3A] : memref<10240x128xf32, #tpu.memory_space<vmem_shared>> -> memref<128x128xf32, #tpu.memory_space<vmem_shared>>
      %dma_wait3A_100 = arith.constant 0 : i32
      %dma_wait3A_101 = tpu.memref_slice %arg12[%add3A_10, %dma_wait3A_100] : memref<10240x128xf32, #tpu.memory_space<vmem_shared>> -> memref<128x128xf32, #tpu.memory_space<vmem_shared>>
      tpu.wait_dma2 semaphore(%run_scoped3A : memref<!tpu.dma_semaphore, #tpu.memory_space<semaphore_mem>>) src(%arg10 : memref<128x128xf32, #tpu.memory_space<vmem>>) dst(%dma_wait3A_101 : memref<128x128xf32, #tpu.memory_space<vmem_shared>>)
      tpu.yield
    }) : () -> ()
    %mul3A_11 = arith.constant 640 : i32
    %mul3A_12 = arith.muli %arg1, %mul3A_11 : i32
    %add3A_13 = arith.constant 128 : i32
    %add3A_14 = arith.addi %mul3A_12, %add3A_13 : i32
    "tpu.region"() ({
      %run_scoped3A = tpu.sem_alloc : memref<!tpu.dma_semaphore, #tpu.memory_space<semaphore_mem>>
      %dma_start3A = arith.constant 0 : i32
      %dma_start3A_96 = tpu.memref_slice %arg12[%add3A_14, %dma_start3A] : memref<10240x128xf32, #tpu.memory_space<vmem_shared>> -> memref<128x128xf32, #tpu.memory_space<vmem_shared>>
      %dma_start3A_97 = arith.constant 0 : i32
      %dma_start3A_98 = tpu.memref_slice %arg12[%add3A_14, %dma_start3A_97] : memref<10240x128xf32, #tpu.memory_space<vmem_shared>> -> memref<128x128xf32, #tpu.memory_space<vmem_shared>>
      tpu.enqueue_dma source(%arg10 : memref<128x128xf32, #tpu.memory_space<vmem>>) target(%dma_start3A_98 : memref<128x128xf32, #tpu.memory_space<vmem_shared>>) target_semaphore(%run_scoped3A : memref<!tpu.dma_semaphore, #tpu.memory_space<semaphore_mem>>)
      %dma_wait3A = arith.constant 0 : i32
      %dma_wait3A_99 = tpu.memref_slice %arg12[%add3A_14, %dma_wait3A] : memref<10240x128xf32, #tpu.memory_space<vmem_shared>> -> memref<128x128xf32, #tpu.memory_space<vmem_shared>>
      %dma_wait3A_100 = arith.constant 0 : i32
      %dma_wait3A_101 = tpu.memref_slice %arg12[%add3A_14, %dma_wait3A_100] : memref<10240x128xf32, #tpu.memory_space<vmem_shared>> -> memref<128x128xf32, #tpu.memory_space<vmem_shared>>
      tpu.wait_dma2 semaphore(%run_scoped3A : memref<!tpu.dma_semaphore, #tpu.memory_space<semaphore_mem>>) src(%arg10 : memref<128x128xf32, #tpu.memory_space<vmem>>) dst(%dma_wait3A_101 : memref<128x128xf32, #tpu.memory_space<vmem_shared>>)
      tpu.yield
    }) : () -> ()
    %mul3A_15 = arith.constant 640 : i32
    %mul3A_16 = arith.muli %arg1, %mul3A_15 : i32
    %add3A_17 = arith.constant 256 : i32
    %add3A_18 = arith.addi %mul3A_16, %add3A_17 : i32
    "tpu.region"() ({
      %run_scoped3A = tpu.sem_alloc : memref<!tpu.dma_semaphore, #tpu.memory_space<semaphore_mem>>
      %dma_start3A = arith.constant 0 : i32
      %dma_start3A_96 = tpu.memref_slice %arg12[%add3A_18, %dma_start3A] : memref<10240x128xf32, #tpu.memory_space<vmem_shared>> -> memref<128x128xf32, #tpu.memory_space<vmem_shared>>
      %dma_start3A_97 = arith.constant 0 : i32
      %dma_start3A_98 = tpu.memref_slice %arg12[%add3A_18, %dma_start3A_97] : memref<10240x128xf32, #tpu.memory_space<vmem_shared>> -> memref<128x128xf32, #tpu.memory_space<vmem_shared>>
      tpu.enqueue_dma source(%arg10 : memref<128x128xf32, #tpu.memory_space<vmem>>) target(%dma_start3A_98 : memref<128x128xf32, #tpu.memory_space<vmem_shared>>) target_semaphore(%run_scoped3A : memref<!tpu.dma_semaphore, #tpu.memory_space<semaphore_mem>>)
      %dma_wait3A = arith.constant 0 : i32
      %dma_wait3A_99 = tpu.memref_slice %arg12[%add3A_18, %dma_wait3A] : memref<10240x128xf32, #tpu.memory_space<vmem_shared>> -> memref<128x128xf32, #tpu.memory_space<vmem_shared>>
      %dma_wait3A_100 = arith.constant 0 : i32
      %dma_wait3A_101 = tpu.memref_slice %arg12[%add3A_18, %dma_wait3A_100] : memref<10240x128xf32, #tpu.memory_space<vmem_shared>> -> memref<128x128xf32, #tpu.memory_space<vmem_shared>>
      tpu.wait_dma2 semaphore(%run_scoped3A : memref<!tpu.dma_semaphore, #tpu.memory_space<semaphore_mem>>) src(%arg10 : memref<128x128xf32, #tpu.memory_space<vmem>>) dst(%dma_wait3A_101 : memref<128x128xf32, #tpu.memory_space<vmem_shared>>)
      tpu.yield
    }) : () -> ()
    %mul3A_19 = arith.constant 640 : i32
    %mul3A_20 = arith.muli %arg1, %mul3A_19 : i32
    %add3A_21 = arith.constant 384 : i32
    %add3A_22 = arith.addi %mul3A_20, %add3A_21 : i32
    "tpu.region"() ({
      %run_scoped3A = tpu.sem_alloc : memref<!tpu.dma_semaphore, #tpu.memory_space<semaphore_mem>>
      %dma_start3A = arith.constant 0 : i32
      %dma_start3A_96 = tpu.memref_slice %arg12[%add3A_22, %dma_start3A] : memref<10240x128xf32, #tpu.memory_space<vmem_shared>> -> memref<128x128xf32, #tpu.memory_space<vmem_shared>>
      %dma_start3A_97 = arith.constant 0 : i32
      %dma_start3A_98 = tpu.memref_slice %arg12[%add3A_22, %dma_start3A_97] : memref<10240x128xf32, #tpu.memory_space<vmem_shared>> -> memref<128x128xf32, #tpu.memory_space<vmem_shared>>
      tpu.enqueue_dma source(%arg10 : memref<128x128xf32, #tpu.memory_space<vmem>>) target(%dma_start3A_98 : memref<128x128xf32, #tpu.memory_space<vmem_shared>>) target_semaphore(%run_scoped3A : memref<!tpu.dma_semaphore, #tpu.memory_space<semaphore_mem>>)
      %dma_wait3A = arith.constant 0 : i32
      %dma_wait3A_99 = tpu.memref_slice %arg12[%add3A_22, %dma_wait3A] : memref<10240x128xf32, #tpu.memory_space<vmem_shared>> -> memref<128x128xf32, #tpu.memory_space<vmem_shared>>
      %dma_wait3A_100 = arith.constant 0 : i32
      %dma_wait3A_101 = tpu.memref_slice %arg12[%add3A_22, %dma_wait3A_100] : memref<10240x128xf32, #tpu.memory_space<vmem_shared>> -> memref<128x128xf32, #tpu.memory_space<vmem_shared>>
      tpu.wait_dma2 semaphore(%run_scoped3A : memref<!tpu.dma_semaphore, #tpu.memory_space<semaphore_mem>>) src(%arg10 : memref<128x128xf32, #tpu.memory_space<vmem>>) dst(%dma_wait3A_101 : memref<128x128xf32, #tpu.memory_space<vmem_shared>>)
      tpu.yield
    }) : () -> ()
    %mul3A_23 = arith.constant 640 : i32
    %mul3A_24 = arith.muli %arg1, %mul3A_23 : i32
    %add3A_25 = arith.constant 512 : i32
    %add3A_26 = arith.addi %mul3A_24, %add3A_25 : i32
    "tpu.region"() ({
      %run_scoped3A = tpu.sem_alloc : memref<!tpu.dma_semaphore, #tpu.memory_space<semaphore_mem>>
      %dma_start3A = arith.constant 0 : i32
      %dma_start3A_96 = tpu.memref_slice %arg12[%add3A_26, %dma_start3A] : memref<10240x128xf32, #tpu.memory_space<vmem_shared>> -> memref<128x128xf32, #tpu.memory_space<vmem_shared>>
      %dma_start3A_97 = arith.constant 0 : i32
      %dma_start3A_98 = tpu.memref_slice %arg12[%add3A_26, %dma_start3A_97] : memref<10240x128xf32, #tpu.memory_space<vmem_shared>> -> memref<128x128xf32, #tpu.memory_space<vmem_shared>>
      tpu.enqueue_dma source(%arg10 : memref<128x128xf32, #tpu.memory_space<vmem>>) target(%dma_start3A_98 : memref<128x128xf32, #tpu.memory_space<vmem_shared>>) target_semaphore(%run_scoped3A : memref<!tpu.dma_semaphore, #tpu.memory_space<semaphore_mem>>)
      %dma_wait3A = arith.constant 0 : i32
      %dma_wait3A_99 = tpu.memref_slice %arg12[%add3A_26, %dma_wait3A] : memref<10240x128xf32, #tpu.memory_space<vmem_shared>> -> memref<128x128xf32, #tpu.memory_space<vmem_shared>>
      %dma_wait3A_100 = arith.constant 0 : i32
      %dma_wait3A_101 = tpu.memref_slice %arg12[%add3A_26, %dma_wait3A_100] : memref<10240x128xf32, #tpu.memory_space<vmem_shared>> -> memref<128x128xf32, #tpu.memory_space<vmem_shared>>
      tpu.wait_dma2 semaphore(%run_scoped3A : memref<!tpu.dma_semaphore, #tpu.memory_space<semaphore_mem>>) src(%arg10 : memref<128x128xf32, #tpu.memory_space<vmem>>) dst(%dma_wait3A_101 : memref<128x128xf32, #tpu.memory_space<vmem_shared>>)
      tpu.yield
    }) : () -> ()
    %barrier3A = arith.constant 0 : index
    tpu.barrier barrier_id(%barrier3A)
    %add3A_27 = arith.constant 0 : i32
    %add3A_28 = arith.addi %mul3A_2, %add3A_27 : i32
    "tpu.region"() ({
      %run_scoped3A = tpu.sem_alloc : memref<!tpu.dma_semaphore, #tpu.memory_space<semaphore_mem>>
      %dma_start3A = tpu.memref_slice %arg2[%add3A_28] : memref<327680xi32, #tpu.memory_space<hbm>> -> memref<128xi32, #tpu.memory_space<hbm>>
      %dma_start3A_96 = tpu.memref_slice %arg2[%add3A_28] : memref<327680xi32, #tpu.memory_space<hbm>> -> memref<128xi32, #tpu.memory_space<hbm>>
      tpu.enqueue_dma source(%dma_start3A_96 : memref<128xi32, #tpu.memory_space<hbm>>) target(%arg6 : memref<128xi32, #tpu.memory_space<vmem>>) target_semaphore(%run_scoped3A : memref<!tpu.dma_semaphore, #tpu.memory_space<semaphore_mem>>)
      %dma_wait3A = tpu.memref_slice %arg2[%add3A_28] : memref<327680xi32, #tpu.memory_space<hbm>> -> memref<128xi32, #tpu.memory_space<hbm>>
      %dma_wait3A_97 = tpu.memref_slice %arg2[%add3A_28] : memref<327680xi32, #tpu.memory_space<hbm>> -> memref<128xi32, #tpu.memory_space<hbm>>
      tpu.wait_dma2 semaphore(%run_scoped3A : memref<!tpu.dma_semaphore, #tpu.memory_space<semaphore_mem>>) src(%dma_wait3A_97 : memref<128xi32, #tpu.memory_space<hbm>>) dst(%arg6 : memref<128xi32, #tpu.memory_space<vmem>>)
      tpu.yield
    }) : () -> ()
    %add3A_29 = arith.constant 0 : i32
    %add3A_30 = arith.addi %mul3A_2, %add3A_29 : i32
    "tpu.region"() ({
      %run_scoped3A = tpu.sem_alloc : memref<!tpu.dma_semaphore, #tpu.memory_space<semaphore_mem>>
      %dma_start3A = tpu.memref_slice %arg3[%add3A_30] : memref<327680xi32, #tpu.memory_space<hbm>> -> memref<128xi32, #tpu.memory_space<hbm>>
      %dma_start3A_96 = tpu.memref_slice %arg3[%add3A_30] : memref<327680xi32, #tpu.memory_space<hbm>> -> memref<128xi32, #tpu.memory_space<hbm>>
      tpu.enqueue_dma source(%dma_start3A_96 : memref<128xi32, #tpu.memory_space<hbm>>) target(%arg8 : memref<128xi32, #tpu.memory_space<vmem>>) target_semaphore(%run_scoped3A : memref<!tpu.dma_semaphore, #tpu.memory_space<semaphore_mem>>)
      %dma_wait3A = tpu.memref_slice %arg3[%add3A_30] : memref<327680xi32, #tpu.memory_space<hbm>> -> memref<128xi32, #tpu.memory_space<hbm>>
      %dma_wait3A_97 = tpu.memref_slice %arg3[%add3A_30] : memref<327680xi32, #tpu.memory_space<hbm>> -> memref<128xi32, #tpu.memory_space<hbm>>
      tpu.wait_dma2 semaphore(%run_scoped3A : memref<!tpu.dma_semaphore, #tpu.memory_space<semaphore_mem>>) src(%dma_wait3A_97 : memref<128xi32, #tpu.memory_space<hbm>>) dst(%arg8 : memref<128xi32, #tpu.memory_space<vmem>>)
      tpu.yield
    }) : () -> ()
    %add3A_31 = arith.constant 128 : i32
    %add3A_32 = arith.addi %mul3A_2, %add3A_31 : i32
    "tpu.region"() ({
      %run_scoped3A = tpu.sem_alloc : memref<!tpu.dma_semaphore, #tpu.memory_space<semaphore_mem>>
      %dma_start3A = tpu.memref_slice %arg2[%add3A_32] : memref<327680xi32, #tpu.memory_space<hbm>> -> memref<128xi32, #tpu.memory_space<hbm>>
      %dma_start3A_96 = tpu.memref_slice %arg2[%add3A_32] : memref<327680xi32, #tpu.memory_space<hbm>> -> memref<128xi32, #tpu.memory_space<hbm>>
      tpu.enqueue_dma source(%dma_start3A_96 : memref<128xi32, #tpu.memory_space<hbm>>) target(%arg7 : memref<128xi32, #tpu.memory_space<vmem>>) target_semaphore(%run_scoped3A : memref<!tpu.dma_semaphore, #tpu.memory_space<semaphore_mem>>)
      %dma_wait3A = tpu.memref_slice %arg2[%add3A_32] : memref<327680xi32, #tpu.memory_space<hbm>> -> memref<128xi32, #tpu.memory_space<hbm>>
      %dma_wait3A_97 = tpu.memref_slice %arg2[%add3A_32] : memref<327680xi32, #tpu.memory_space<hbm>> -> memref<128xi32, #tpu.memory_space<hbm>>
      tpu.wait_dma2 semaphore(%run_scoped3A : memref<!tpu.dma_semaphore, #tpu.memory_space<semaphore_mem>>) src(%dma_wait3A_97 : memref<128xi32, #tpu.memory_space<hbm>>) dst(%arg7 : memref<128xi32, #tpu.memory_space<vmem>>)
      tpu.yield
    }) : () -> ()
    %add3A_33 = arith.constant 128 : i32
    %add3A_34 = arith.addi %mul3A_2, %add3A_33 : i32
    "tpu.region"() ({
      %run_scoped3A = tpu.sem_alloc : memref<!tpu.dma_semaphore, #tpu.memory_space<semaphore_mem>>
      %dma_start3A = tpu.memref_slice %arg3[%add3A_34] : memref<327680xi32, #tpu.memory_space<hbm>> -> memref<128xi32, #tpu.memory_space<hbm>>
      %dma_start3A_96 = tpu.memref_slice %arg3[%add3A_34] : memref<327680xi32, #tpu.memory_space<hbm>> -> memref<128xi32, #tpu.memory_space<hbm>>
      tpu.enqueue_dma source(%dma_start3A_96 : memref<128xi32, #tpu.memory_space<hbm>>) target(%arg9 : memref<128xi32, #tpu.memory_space<vmem>>) target_semaphore(%run_scoped3A : memref<!tpu.dma_semaphore, #tpu.memory_space<semaphore_mem>>)
      %dma_wait3A = tpu.memref_slice %arg3[%add3A_34] : memref<327680xi32, #tpu.memory_space<hbm>> -> memref<128xi32, #tpu.memory_space<hbm>>
      %dma_wait3A_97 = tpu.memref_slice %arg3[%add3A_34] : memref<327680xi32, #tpu.memory_space<hbm>> -> memref<128xi32, #tpu.memory_space<hbm>>
      tpu.wait_dma2 semaphore(%run_scoped3A : memref<!tpu.dma_semaphore, #tpu.memory_space<semaphore_mem>>) src(%dma_wait3A_97 : memref<128xi32, #tpu.memory_space<hbm>>) dst(%arg9 : memref<128xi32, #tpu.memory_space<vmem>>)
      tpu.yield
    }) : () -> ()
    %scan3A_35 = arith.constant 0 : i32
    %scan3A_36 = arith.constant 40 : i32
    %scan3A_37 = arith.addi %scan3A_35, %scan3A_36 : i32
    %scan3A_38 = arith.constant 1 : i32
    scf.for %scan3A_96 = %scan3A_35 to %scan3A_37 step %scan3A_38  : i32 {
      %mul3A_97 = arith.constant 2 : i32
      %mul3A_98 = arith.muli %scan3A_96, %mul3A_97 : i32
      %dma_start3A = arith.constant 0 : i32
      %dma_start3A_99 = arith.constant 0 : i32
      %dma_start3A_100 = tpu.memref_slice %arg4[%dma_start3A, %dma_start3A_99] : memref<10000x128xf32, #tpu.memory_space<hbm>> -> memref<10000x128xf32, #tpu.memory_space<hbm>>
      tpu.enqueue_indirect_dma source(%dma_start3A_100 : memref<10000x128xf32, #tpu.memory_space<hbm>>) target(%arg10 : memref<128x128xf32, #tpu.memory_space<vmem>>) offsets(%arg6 : memref<128xi32, #tpu.memory_space<vmem>>) semaphore(%arg13 : memref<!tpu.dma_semaphore, #tpu.memory_space<semaphore_mem>>)
      %dma_start3A_101 = arith.constant 0 : i32
      %dma_start3A_102 = arith.constant 0 : i32
      %dma_start3A_103 = tpu.memref_slice %arg4[%dma_start3A_101, %dma_start3A_102] : memref<10000x128xf32, #tpu.memory_space<hbm>> -> memref<10000x128xf32, #tpu.memory_space<hbm>>
      tpu.enqueue_indirect_dma source(%dma_start3A_103 : memref<10000x128xf32, #tpu.memory_space<hbm>>) target(%arg11 : memref<128x128xf32, #tpu.memory_space<vmem>>) offsets(%arg7 : memref<128xi32, #tpu.memory_space<vmem>>) semaphore(%arg14 : memref<!tpu.dma_semaphore, #tpu.memory_space<semaphore_mem>>)
      %dma_wait3A = arith.constant 0 : i32
      %dma_wait3A_104 = arith.constant 0 : i32
      %dma_wait3A_105 = tpu.memref_slice %arg4[%dma_wait3A, %dma_wait3A_104] : memref<10000x128xf32, #tpu.memory_space<hbm>> -> memref<10000x128xf32, #tpu.memory_space<hbm>>
      tpu.wait_indirect_dma semaphore(%arg13 : memref<!tpu.dma_semaphore, #tpu.memory_space<semaphore_mem>>) src(%dma_wait3A_105 : memref<10000x128xf32, #tpu.memory_space<hbm>>) dst(%arg10 : memref<128x128xf32, #tpu.memory_space<vmem>>)
      "tpu.region"() ({
        %run_scoped3A = tpu.sem_alloc : memref<!tpu.dma_semaphore, #tpu.memory_space<semaphore_mem>>
        %dma_start3A_127 = arith.constant 0 : i32
        %dma_start3A_128 = arith.constant 0 : i32
        %dma_start3A_129 = tpu.memref_slice %arg12[%dma_start3A_127, %dma_start3A_128] : memref<10240x128xf32, #tpu.memory_space<vmem_shared>> -> memref<10240x128xf32, #tpu.memory_space<vmem_shared>>
        tpu.enqueue_indirect_dma source(%arg10 : memref<128x128xf32, #tpu.memory_space<vmem>>) target(%dma_start3A_129 : memref<10240x128xf32, #tpu.memory_space<vmem_shared>>) offsets(%arg8 : memref<128xi32, #tpu.memory_space<vmem>>) semaphore(%run_scoped3A : memref<!tpu.dma_semaphore, #tpu.memory_space<semaphore_mem>>) {add = true}
        %dma_wait3A_130 = arith.constant 0 : i32
        %dma_wait3A_131 = arith.constant 0 : i32
        %dma_wait3A_132 = tpu.memref_slice %arg12[%dma_wait3A_130, %dma_wait3A_131] : memref<10240x128xf32, #tpu.memory_space<vmem_shared>> -> memref<10240x128xf32, #tpu.memory_space<vmem_shared>>
        tpu.wait_indirect_dma semaphore(%run_scoped3A : memref<!tpu.dma_semaphore, #tpu.memory_space<semaphore_mem>>) src(%arg10 : memref<128x128xf32, #tpu.memory_space<vmem>>) dst(%dma_wait3A_132 : memref<10240x128xf32, #tpu.memory_space<vmem_shared>>)
        tpu.yield
      }) : () -> ()
      %add3A_106 = arith.constant 1 : i32
      %add3A_107 = arith.addi %scan3A_96, %add3A_106 : i32
      %lt3A = arith.constant 40 : i32
      %lt3A_108 = arith.cmpi slt, %add3A_107, %lt3A : i32
      %convert_element_type3A = arith.extui %lt3A_108 : i1 to i32
      %cond3A = arith.constant 0 : i32
      %cond3A_109 = arith.cmpi ne, %convert_element_type3A, %cond3A : i32
      scf.if %cond3A_109 {
        %add3A_127 = arith.constant 2 : i32
        %add3A_128 = arith.addi %mul3A_98, %add3A_127 : i32
        %add3A_129 = arith.constant 0 : i32
        %add3A_130 = arith.addi %add3A_128, %add3A_129 : i32
        %mul3A_131 = arith.constant 128 : i32
        %mul3A_132 = arith.muli %add3A_130, %mul3A_131 : i32
        %add3A_133 = arith.addi %mul3A_2, %mul3A_132 : i32
        %dma_start3A_134 = tpu.memref_slice %arg2[%add3A_133] : memref<327680xi32, #tpu.memory_space<hbm>> -> memref<128xi32, #tpu.memory_space<hbm>>
        %dma_start3A_135 = tpu.memref_slice %arg2[%add3A_133] : memref<327680xi32, #tpu.memory_space<hbm>> -> memref<128xi32, #tpu.memory_space<hbm>>
        tpu.enqueue_dma source(%dma_start3A_135 : memref<128xi32, #tpu.memory_space<hbm>>) target(%arg6 : memref<128xi32, #tpu.memory_space<vmem>>) target_semaphore(%arg15 : memref<!tpu.dma_semaphore, #tpu.memory_space<semaphore_mem>>)
        %dma_start3A_136 = tpu.memref_slice %arg3[%add3A_133] : memref<327680xi32, #tpu.memory_space<hbm>> -> memref<128xi32, #tpu.memory_space<hbm>>
        %dma_start3A_137 = tpu.memref_slice %arg3[%add3A_133] : memref<327680xi32, #tpu.memory_space<hbm>> -> memref<128xi32, #tpu.memory_space<hbm>>
        tpu.enqueue_dma source(%dma_start3A_137 : memref<128xi32, #tpu.memory_space<hbm>>) target(%arg8 : memref<128xi32, #tpu.memory_space<vmem>>) target_semaphore(%arg15 : memref<!tpu.dma_semaphore, #tpu.memory_space<semaphore_mem>>)
      } else {
      }
      %dma_wait3A_110 = arith.constant 0 : i32
      %dma_wait3A_111 = arith.constant 0 : i32
      %dma_wait3A_112 = tpu.memref_slice %arg4[%dma_wait3A_110, %dma_wait3A_111] : memref<10000x128xf32, #tpu.memory_space<hbm>> -> memref<10000x128xf32, #tpu.memory_space<hbm>>
      tpu.wait_indirect_dma semaphore(%arg14 : memref<!tpu.dma_semaphore, #tpu.memory_space<semaphore_mem>>) src(%dma_wait3A_112 : memref<10000x128xf32, #tpu.memory_space<hbm>>) dst(%arg11 : memref<128x128xf32, #tpu.memory_space<vmem>>)
      "tpu.region"() ({
        %run_scoped3A = tpu.sem_alloc : memref<!tpu.dma_semaphore, #tpu.memory_space<semaphore_mem>>
        %dma_start3A_127 = arith.constant 0 : i32
        %dma_start3A_128 = arith.constant 0 : i32
        %dma_start3A_129 = tpu.memref_slice %arg12[%dma_start3A_127, %dma_start3A_128] : memref<10240x128xf32, #tpu.memory_space<vmem_shared>> -> memref<10240x128xf32, #tpu.memory_space<vmem_shared>>
        tpu.enqueue_indirect_dma source(%arg11 : memref<128x128xf32, #tpu.memory_space<vmem>>) target(%dma_start3A_129 : memref<10240x128xf32, #tpu.memory_space<vmem_shared>>) offsets(%arg9 : memref<128xi32, #tpu.memory_space<vmem>>) semaphore(%run_scoped3A : memref<!tpu.dma_semaphore, #tpu.memory_space<semaphore_mem>>) {add = true}
        %dma_wait3A_130 = arith.constant 0 : i32
        %dma_wait3A_131 = arith.constant 0 : i32
        %dma_wait3A_132 = tpu.memref_slice %arg12[%dma_wait3A_130, %dma_wait3A_131] : memref<10240x128xf32, #tpu.memory_space<vmem_shared>> -> memref<10240x128xf32, #tpu.memory_space<vmem_shared>>
        tpu.wait_indirect_dma semaphore(%run_scoped3A : memref<!tpu.dma_semaphore, #tpu.memory_space<semaphore_mem>>) src(%arg11 : memref<128x128xf32, #tpu.memory_space<vmem>>) dst(%dma_wait3A_132 : memref<10240x128xf32, #tpu.memory_space<vmem_shared>>)
        tpu.yield
      }) : () -> ()
      %add3A_113 = arith.constant 1 : i32
      %add3A_114 = arith.addi %scan3A_96, %add3A_113 : i32
      %lt3A_115 = arith.constant 40 : i32
      %lt3A_116 = arith.cmpi slt, %add3A_114, %lt3A_115 : i32
      %convert_element_type3A_117 = arith.extui %lt3A_116 : i1 to i32
      %cond3A_118 = arith.constant 0 : i32
      %cond3A_119 = arith.cmpi ne, %convert_element_type3A_117, %cond3A_118 : i32
      scf.if %cond3A_119 {
        %add3A_127 = arith.constant 2 : i32
        %add3A_128 = arith.addi %mul3A_98, %add3A_127 : i32
        %add3A_129 = arith.constant 1 : i32
        %add3A_130 = arith.addi %add3A_128, %add3A_129 : i32
        %mul3A_131 = arith.constant 128 : i32
        %mul3A_132 = arith.muli %add3A_130, %mul3A_131 : i32
        %add3A_133 = arith.addi %mul3A_2, %mul3A_132 : i32
        %dma_start3A_134 = tpu.memref_slice %arg2[%add3A_133] : memref<327680xi32, #tpu.memory_space<hbm>> -> memref<128xi32, #tpu.memory_space<hbm>>
        %dma_start3A_135 = tpu.memref_slice %arg2[%add3A_133] : memref<327680xi32, #tpu.memory_space<hbm>> -> memref<128xi32, #tpu.memory_space<hbm>>
        tpu.enqueue_dma source(%dma_start3A_135 : memref<128xi32, #tpu.memory_space<hbm>>) target(%arg7 : memref<128xi32, #tpu.memory_space<vmem>>) target_semaphore(%arg16 : memref<!tpu.dma_semaphore, #tpu.memory_space<semaphore_mem>>)
        %dma_start3A_136 = tpu.memref_slice %arg3[%add3A_133] : memref<327680xi32, #tpu.memory_space<hbm>> -> memref<128xi32, #tpu.memory_space<hbm>>
        %dma_start3A_137 = tpu.memref_slice %arg3[%add3A_133] : memref<327680xi32, #tpu.memory_space<hbm>> -> memref<128xi32, #tpu.memory_space<hbm>>
        tpu.enqueue_dma source(%dma_start3A_137 : memref<128xi32, #tpu.memory_space<hbm>>) target(%arg9 : memref<128xi32, #tpu.memory_space<vmem>>) target_semaphore(%arg16 : memref<!tpu.dma_semaphore, #tpu.memory_space<semaphore_mem>>)
      } else {
      }
      %add3A_120 = arith.constant 1 : i32
      %add3A_121 = arith.addi %scan3A_96, %add3A_120 : i32
      %lt3A_122 = arith.constant 40 : i32
      %lt3A_123 = arith.cmpi slt, %add3A_121, %lt3A_122 : i32
      %convert_element_type3A_124 = arith.extui %lt3A_123 : i1 to i32
      %cond3A_125 = arith.constant 0 : i32
      %cond3A_126 = arith.cmpi ne, %convert_element_type3A_124, %cond3A_125 : i32
      scf.if %cond3A_126 {
        %dma_wait3A_127 = tpu.memref_slice %arg2[%mul3A_2] : memref<327680xi32, #tpu.memory_space<hbm>> -> memref<128xi32, #tpu.memory_space<hbm>>
        %dma_wait3A_128 = tpu.memref_slice %arg2[%mul3A_2] : memref<327680xi32, #tpu.memory_space<hbm>> -> memref<128xi32, #tpu.memory_space<hbm>>
        tpu.wait_dma2 semaphore(%arg15 : memref<!tpu.dma_semaphore, #tpu.memory_space<semaphore_mem>>) src(%dma_wait3A_128 : memref<128xi32, #tpu.memory_space<hbm>>) dst(%arg6 : memref<128xi32, #tpu.memory_space<vmem>>)
        %dma_wait3A_129 = tpu.memref_slice %arg3[%mul3A_2] : memref<327680xi32, #tpu.memory_space<hbm>> -> memref<128xi32, #tpu.memory_space<hbm>>
        %dma_wait3A_130 = tpu.memref_slice %arg3[%mul3A_2] : memref<327680xi32, #tpu.memory_space<hbm>> -> memref<128xi32, #tpu.memory_space<hbm>>
        tpu.wait_dma2 semaphore(%arg15 : memref<!tpu.dma_semaphore, #tpu.memory_space<semaphore_mem>>) src(%dma_wait3A_130 : memref<128xi32, #tpu.memory_space<hbm>>) dst(%arg8 : memref<128xi32, #tpu.memory_space<vmem>>)
        %dma_wait3A_131 = tpu.memref_slice %arg2[%mul3A_2] : memref<327680xi32, #tpu.memory_space<hbm>> -> memref<128xi32, #tpu.memory_space<hbm>>
        %dma_wait3A_132 = tpu.memref_slice %arg2[%mul3A_2] : memref<327680xi32, #tpu.memory_space<hbm>> -> memref<128xi32, #tpu.memory_space<hbm>>
        tpu.wait_dma2 semaphore(%arg16 : memref<!tpu.dma_semaphore, #tpu.memory_space<semaphore_mem>>) src(%dma_wait3A_132 : memref<128xi32, #tpu.memory_space<hbm>>) dst(%arg7 : memref<128xi32, #tpu.memory_space<vmem>>)
        %dma_wait3A_133 = tpu.memref_slice %arg3[%mul3A_2] : memref<327680xi32, #tpu.memory_space<hbm>> -> memref<128xi32, #tpu.memory_space<hbm>>
        %dma_wait3A_134 = tpu.memref_slice %arg3[%mul3A_2] : memref<327680xi32, #tpu.memory_space<hbm>> -> memref<128xi32, #tpu.memory_space<hbm>>
        tpu.wait_dma2 semaphore(%arg16 : memref<!tpu.dma_semaphore, #tpu.memory_space<semaphore_mem>>) src(%dma_wait3A_134 : memref<128xi32, #tpu.memory_space<hbm>>) dst(%arg9 : memref<128xi32, #tpu.memory_space<vmem>>)
      } else {
      }
    }
    %scan3A_39 = arith.constant 40 : i32
    %barrier3A_40 = arith.constant 0 : index
    tpu.barrier barrier_id(%barrier3A_40)
    %mul3A_41 = arith.constant 640 : i32
    %mul3A_42 = arith.muli %arg1, %mul3A_41 : i32
    %add3A_43 = arith.constant 0 : i32
    %add3A_44 = arith.addi %mul3A_42, %add3A_43 : i32
    %mul3A_45 = arith.constant 10240 : i32
    %mul3A_46 = arith.muli %arg0, %mul3A_45 : i32
    %mul3A_47 = arith.constant 640 : i32
    %mul3A_48 = arith.muli %arg1, %mul3A_47 : i32
    %add3A_49 = arith.addi %mul3A_46, %mul3A_48 : i32
    %add3A_50 = arith.constant 0 : i32
    %add3A_51 = arith.addi %add3A_49, %add3A_50 : i32
    "tpu.region"() ({
      %run_scoped3A = tpu.sem_alloc : memref<!tpu.dma_semaphore, #tpu.memory_space<semaphore_mem>>
      %dma_start3A = arith.constant 0 : i32
      %dma_start3A_96 = tpu.memref_slice %arg5[%add3A_51, %dma_start3A] : memref<20480x128xf32, #tpu.memory_space<hbm>> -> memref<128x128xf32, #tpu.memory_space<hbm>>
      %dma_start3A_97 = arith.constant 0 : i32
      %dma_start3A_98 = tpu.memref_slice %arg12[%add3A_44, %dma_start3A_97] : memref<10240x128xf32, #tpu.memory_space<vmem_shared>> -> memref<128x128xf32, #tpu.memory_space<vmem_shared>>
      tpu.enqueue_dma source(%dma_start3A_98 : memref<128x128xf32, #tpu.memory_space<vmem_shared>>) target(%dma_start3A_96 : memref<128x128xf32, #tpu.memory_space<hbm>>) target_semaphore(%run_scoped3A : memref<!tpu.dma_semaphore, #tpu.memory_space<semaphore_mem>>)
      %dma_wait3A = arith.constant 0 : i32
      %dma_wait3A_99 = tpu.memref_slice %arg5[%add3A_51, %dma_wait3A] : memref<20480x128xf32, #tpu.memory_space<hbm>> -> memref<128x128xf32, #tpu.memory_space<hbm>>
      %dma_wait3A_100 = arith.constant 0 : i32
      %dma_wait3A_101 = tpu.memref_slice %arg12[%add3A_44, %dma_wait3A_100] : memref<10240x128xf32, #tpu.memory_space<vmem_shared>> -> memref<128x128xf32, #tpu.memory_space<vmem_shared>>
      tpu.wait_dma2 semaphore(%run_scoped3A : memref<!tpu.dma_semaphore, #tpu.memory_space<semaphore_mem>>) src(%dma_wait3A_101 : memref<128x128xf32, #tpu.memory_space<vmem_shared>>) dst(%dma_wait3A_99 : memref<128x128xf32, #tpu.memory_space<hbm>>)
      tpu.yield
    }) : () -> ()
    %mul3A_52 = arith.constant 640 : i32
    %mul3A_53 = arith.muli %arg1, %mul3A_52 : i32
    %add3A_54 = arith.constant 128 : i32
    %add3A_55 = arith.addi %mul3A_53, %add3A_54 : i32
    %mul3A_56 = arith.constant 10240 : i32
    %mul3A_57 = arith.muli %arg0, %mul3A_56 : i32
    %mul3A_58 = arith.constant 640 : i32
    %mul3A_59 = arith.muli %arg1, %mul3A_58 : i32
    %add3A_60 = arith.addi %mul3A_57, %mul3A_59 : i32
    %add3A_61 = arith.constant 128 : i32
    %add3A_62 = arith.addi %add3A_60, %add3A_61 : i32
    "tpu.region"() ({
      %run_scoped3A = tpu.sem_alloc : memref<!tpu.dma_semaphore, #tpu.memory_space<semaphore_mem>>
      %dma_start3A = arith.constant 0 : i32
      %dma_start3A_96 = tpu.memref_slice %arg5[%add3A_62, %dma_start3A] : memref<20480x128xf32, #tpu.memory_space<hbm>> -> memref<128x128xf32, #tpu.memory_space<hbm>>
      %dma_start3A_97 = arith.constant 0 : i32
      %dma_start3A_98 = tpu.memref_slice %arg12[%add3A_55, %dma_start3A_97] : memref<10240x128xf32, #tpu.memory_space<vmem_shared>> -> memref<128x128xf32, #tpu.memory_space<vmem_shared>>
      tpu.enqueue_dma source(%dma_start3A_98 : memref<128x128xf32, #tpu.memory_space<vmem_shared>>) target(%dma_start3A_96 : memref<128x128xf32, #tpu.memory_space<hbm>>) target_semaphore(%run_scoped3A : memref<!tpu.dma_semaphore, #tpu.memory_space<semaphore_mem>>)
      %dma_wait3A = arith.constant 0 : i32
      %dma_wait3A_99 = tpu.memref_slice %arg5[%add3A_62, %dma_wait3A] : memref<20480x128xf32, #tpu.memory_space<hbm>> -> memref<128x128xf32, #tpu.memory_space<hbm>>
      %dma_wait3A_100 = arith.constant 0 : i32
      %dma_wait3A_101 = tpu.memref_slice %arg12[%add3A_55, %dma_wait3A_100] : memref<10240x128xf32, #tpu.memory_space<vmem_shared>> -> memref<128x128xf32, #tpu.memory_space<vmem_shared>>
      tpu.wait_dma2 semaphore(%run_scoped3A : memref<!tpu.dma_semaphore, #tpu.memory_space<semaphore_mem>>) src(%dma_wait3A_101 : memref<128x128xf32, #tpu.memory_space<vmem_shared>>) dst(%dma_wait3A_99 : memref<128x128xf32, #tpu.memory_space<hbm>>)
      tpu.yield
    }) : () -> ()
    %mul3A_63 = arith.constant 640 : i32
    %mul3A_64 = arith.muli %arg1, %mul3A_63 : i32
    %add3A_65 = arith.constant 256 : i32
    %add3A_66 = arith.addi %mul3A_64, %add3A_65 : i32
    %mul3A_67 = arith.constant 10240 : i32
    %mul3A_68 = arith.muli %arg0, %mul3A_67 : i32
    %mul3A_69 = arith.constant 640 : i32
    %mul3A_70 = arith.muli %arg1, %mul3A_69 : i32
    %add3A_71 = arith.addi %mul3A_68, %mul3A_70 : i32
    %add3A_72 = arith.constant 256 : i32
    %add3A_73 = arith.addi %add3A_71, %add3A_72 : i32
    "tpu.region"() ({
      %run_scoped3A = tpu.sem_alloc : memref<!tpu.dma_semaphore, #tpu.memory_space<semaphore_mem>>
      %dma_start3A = arith.constant 0 : i32
      %dma_start3A_96 = tpu.memref_slice %arg5[%add3A_73, %dma_start3A] : memref<20480x128xf32, #tpu.memory_space<hbm>> -> memref<128x128xf32, #tpu.memory_space<hbm>>
      %dma_start3A_97 = arith.constant 0 : i32
      %dma_start3A_98 = tpu.memref_slice %arg12[%add3A_66, %dma_start3A_97] : memref<10240x128xf32, #tpu.memory_space<vmem_shared>> -> memref<128x128xf32, #tpu.memory_space<vmem_shared>>
      tpu.enqueue_dma source(%dma_start3A_98 : memref<128x128xf32, #tpu.memory_space<vmem_shared>>) target(%dma_start3A_96 : memref<128x128xf32, #tpu.memory_space<hbm>>) target_semaphore(%run_scoped3A : memref<!tpu.dma_semaphore, #tpu.memory_space<semaphore_mem>>)
      %dma_wait3A = arith.constant 0 : i32
      %dma_wait3A_99 = tpu.memref_slice %arg5[%add3A_73, %dma_wait3A] : memref<20480x128xf32, #tpu.memory_space<hbm>> -> memref<128x128xf32, #tpu.memory_space<hbm>>
      %dma_wait3A_100 = arith.constant 0 : i32
      %dma_wait3A_101 = tpu.memref_slice %arg12[%add3A_66, %dma_wait3A_100] : memref<10240x128xf32, #tpu.memory_space<vmem_shared>> -> memref<128x128xf32, #tpu.memory_space<vmem_shared>>
      tpu.wait_dma2 semaphore(%run_scoped3A : memref<!tpu.dma_semaphore, #tpu.memory_space<semaphore_mem>>) src(%dma_wait3A_101 : memref<128x128xf32, #tpu.memory_space<vmem_shared>>) dst(%dma_wait3A_99 : memref<128x128xf32, #tpu.memory_space<hbm>>)
      tpu.yield
    }) : () -> ()
    %mul3A_74 = arith.constant 640 : i32
    %mul3A_75 = arith.muli %arg1, %mul3A_74 : i32
    %add3A_76 = arith.constant 384 : i32
    %add3A_77 = arith.addi %mul3A_75, %add3A_76 : i32
    %mul3A_78 = arith.constant 10240 : i32
    %mul3A_79 = arith.muli %arg0, %mul3A_78 : i32
    %mul3A_80 = arith.constant 640 : i32
    %mul3A_81 = arith.muli %arg1, %mul3A_80 : i32
    %add3A_82 = arith.addi %mul3A_79, %mul3A_81 : i32
    %add3A_83 = arith.constant 384 : i32
    %add3A_84 = arith.addi %add3A_82, %add3A_83 : i32
    "tpu.region"() ({
      %run_scoped3A = tpu.sem_alloc : memref<!tpu.dma_semaphore, #tpu.memory_space<semaphore_mem>>
      %dma_start3A = arith.constant 0 : i32
      %dma_start3A_96 = tpu.memref_slice %arg5[%add3A_84, %dma_start3A] : memref<20480x128xf32, #tpu.memory_space<hbm>> -> memref<128x128xf32, #tpu.memory_space<hbm>>
      %dma_start3A_97 = arith.constant 0 : i32
      %dma_start3A_98 = tpu.memref_slice %arg12[%add3A_77, %dma_start3A_97] : memref<10240x128xf32, #tpu.memory_space<vmem_shared>> -> memref<128x128xf32, #tpu.memory_space<vmem_shared>>
      tpu.enqueue_dma source(%dma_start3A_98 : memref<128x128xf32, #tpu.memory_space<vmem_shared>>) target(%dma_start3A_96 : memref<128x128xf32, #tpu.memory_space<hbm>>) target_semaphore(%run_scoped3A : memref<!tpu.dma_semaphore, #tpu.memory_space<semaphore_mem>>)
      %dma_wait3A = arith.constant 0 : i32
      %dma_wait3A_99 = tpu.memref_slice %arg5[%add3A_84, %dma_wait3A] : memref<20480x128xf32, #tpu.memory_space<hbm>> -> memref<128x128xf32, #tpu.memory_space<hbm>>
      %dma_wait3A_100 = arith.constant 0 : i32
      %dma_wait3A_101 = tpu.memref_slice %arg12[%add3A_77, %dma_wait3A_100] : memref<10240x128xf32, #tpu.memory_space<vmem_shared>> -> memref<128x128xf32, #tpu.memory_space<vmem_shared>>
      tpu.wait_dma2 semaphore(%run_scoped3A : memref<!tpu.dma_semaphore, #tpu.memory_space<semaphore_mem>>) src(%dma_wait3A_101 : memref<128x128xf32, #tpu.memory_space<vmem_shared>>) dst(%dma_wait3A_99 : memref<128x128xf32, #tpu.memory_space<hbm>>)
      tpu.yield
    }) : () -> ()
    %mul3A_85 = arith.constant 640 : i32
    %mul3A_86 = arith.muli %arg1, %mul3A_85 : i32
    %add3A_87 = arith.constant 512 : i32
    %add3A_88 = arith.addi %mul3A_86, %add3A_87 : i32
    %mul3A_89 = arith.constant 10240 : i32
    %mul3A_90 = arith.muli %arg0, %mul3A_89 : i32
    %mul3A_91 = arith.constant 640 : i32
    %mul3A_92 = arith.muli %arg1, %mul3A_91 : i32
    %add3A_93 = arith.addi %mul3A_90, %mul3A_92 : i32
    %add3A_94 = arith.constant 512 : i32
    %add3A_95 = arith.addi %add3A_93, %add3A_94 : i32
    "tpu.region"() ({
      %run_scoped3A = tpu.sem_alloc : memref<!tpu.dma_semaphore, #tpu.memory_space<semaphore_mem>>
      %dma_start3A = arith.constant 0 : i32
      %dma_start3A_96 = tpu.memref_slice %arg5[%add3A_95, %dma_start3A] : memref<20480x128xf32, #tpu.memory_space<hbm>> -> memref<128x128xf32, #tpu.memory_space<hbm>>
      %dma_start3A_97 = arith.constant 0 : i32
      %dma_start3A_98 = tpu.memref_slice %arg12[%add3A_88, %dma_start3A_97] : memref<10240x128xf32, #tpu.memory_space<vmem_shared>> -> memref<128x128xf32, #tpu.memory_space<vmem_shared>>
      tpu.enqueue_dma source(%dma_start3A_98 : memref<128x128xf32, #tpu.memory_space<vmem_shared>>) target(%dma_start3A_96 : memref<128x128xf32, #tpu.memory_space<hbm>>) target_semaphore(%run_scoped3A : memref<!tpu.dma_semaphore, #tpu.memory_space<semaphore_mem>>)
      %dma_wait3A = arith.constant 0 : i32
      %dma_wait3A_99 = tpu.memref_slice %arg5[%add3A_95, %dma_wait3A] : memref<20480x128xf32, #tpu.memory_space<hbm>> -> memref<128x128xf32, #tpu.memory_space<hbm>>
      %dma_wait3A_100 = arith.constant 0 : i32
      %dma_wait3A_101 = tpu.memref_slice %arg12[%add3A_88, %dma_wait3A_100] : memref<10240x128xf32, #tpu.memory_space<vmem_shared>> -> memref<128x128xf32, #tpu.memory_space<vmem_shared>>
      tpu.wait_dma2 semaphore(%run_scoped3A : memref<!tpu.dma_semaphore, #tpu.memory_space<semaphore_mem>>) src(%dma_wait3A_101 : memref<128x128xf32, #tpu.memory_space<vmem_shared>>) dst(%dma_wait3A_99 : memref<128x128xf32, #tpu.memory_space<hbm>>)
      tpu.yield
    }) : () -> ()
    return
  }
}

module attributes {stable_mosaic.version = 14 : i64} {
  func.func @_mlp_body(%arg0: i32, %arg1: memref<1000x128xf32, #tpu.memory_space<vmem>>, %arg2: memref<1000x128xf32, #tpu.memory_space<vmem>>, %arg3: memref<1000x128xf32, #tpu.memory_space<vmem>>, %arg4: memref<128x128xf32, #tpu.memory_space<vmem>>, %arg5: memref<1x128xf32, #tpu.memory_space<vmem>>, %arg6: memref<128x128xf32, #tpu.memory_space<vmem>>, %arg7: memref<1x128xf32, #tpu.memory_space<vmem>>, %arg8: memref<1x128xf32, #tpu.memory_space<vmem>>, %arg9: memref<1x128xf32, #tpu.memory_space<vmem>>, %arg10: memref<1000x128xf32, #tpu.memory_space<vmem>>) attributes {dimension_semantics = [#tpu.dimension_semantics<arbitrary>], iteration_bounds = array<i64: 10>, scalar_prefetch = 0 : i64, scratch_operands = 0 : i64, tpu.core_type = #tpu.core_type<tc>, window_params = [{transform_indices = @transform_0, window_bounds = array<i64: 1000, 128>}, {transform_indices = @transform_1, window_bounds = array<i64: 1000, 128>}, {transform_indices = @transform_2, window_bounds = array<i64: 1000, 128>}, {pipeline_mode = #tpu.pipeline_mode<synchronous>, transform_indices = @transform_3, window_bounds = array<i64: 128, 128>}, {pipeline_mode = #tpu.pipeline_mode<synchronous>, transform_indices = @transform_4, window_bounds = array<i64: 1, 128>}, {pipeline_mode = #tpu.pipeline_mode<synchronous>, transform_indices = @transform_5, window_bounds = array<i64: 128, 128>}, {pipeline_mode = #tpu.pipeline_mode<synchronous>, transform_indices = @transform_6, window_bounds = array<i64: 1, 128>}, {pipeline_mode = #tpu.pipeline_mode<synchronous>, transform_indices = @transform_7, window_bounds = array<i64: 1, 128>}, {pipeline_mode = #tpu.pipeline_mode<synchronous>, transform_indices = @transform_8, window_bounds = array<i64: 1, 128>}, {transform_indices = @transform_9, window_bounds = array<i64: 1000, 128>}]} {
    %get3A = arith.constant 0 : index
    %get3A_0 = arith.constant 0 : index
    %get3A_1 = vector.load %arg1[%get3A, %get3A_0] : memref<1000x128xf32, #tpu.memory_space<vmem>>, vector<1000x128xf32>
    %get3A_2 = arith.constant 0 : index
    %get3A_3 = arith.constant 0 : index
    %get3A_4 = vector.load %arg2[%get3A_2, %get3A_3] : memref<1000x128xf32, #tpu.memory_space<vmem>>, vector<1000x128xf32>
    %add3A = arith.addf %get3A_1, %get3A_4 : vector<1000x128xf32>
    %get3A_5 = arith.constant 0 : index
    %get3A_6 = arith.constant 0 : index
    %get3A_7 = vector.load %arg3[%get3A_5, %get3A_6] : memref<1000x128xf32, #tpu.memory_space<vmem>>, vector<1000x128xf32>
    %add3A_8 = arith.addf %add3A, %get3A_7 : vector<1000x128xf32>
    %get3A_9 = arith.constant 0 : index
    %get3A_10 = arith.constant 0 : index
    %get3A_11 = vector.load %arg4[%get3A_9, %get3A_10] : memref<128x128xf32, #tpu.memory_space<vmem>>, vector<128x128xf32>
    %dot_general3A = arith.constant dense<0.000000e+00> : vector<1000x128xf32>
    %dot_general3A_12 = tpu.matmul %add3A_8, %get3A_11, %dot_general3A {dimension_numbers = #tpu.dot_dimension_numbers<[1], [0], [0], [1], [0, 0, 1, 1], [], []>, transpose_lhs_hint = false} : vector<1000x128xf32>, vector<128x128xf32>, vector<1000x128xf32> -> vector<1000x128xf32>
    %get3A_13 = arith.constant 0 : index
    %get3A_14 = arith.constant 0 : index
    %get3A_15 = vector.load %arg5[%get3A_13, %get3A_14] : memref<1x128xf32, #tpu.memory_space<vmem>>, vector<1x128xf32>
    %add3A_16 = vector.broadcast %get3A_15 : vector<1x128xf32> to vector<1000x128xf32>
    %add3A_17 = arith.addf %dot_general3A_12, %add3A_16 : vector<1000x128xf32>
    %max3A = arith.constant 0.000000e+00 : f32
    %max3A_18 = vector.broadcast %max3A : f32 to vector<1000x128xf32>
    %max3A_19 = arith.maximumf %add3A_17, %max3A_18 : vector<1000x128xf32>
    %get3A_20 = arith.constant 0 : index
    %get3A_21 = arith.constant 0 : index
    %get3A_22 = vector.load %arg6[%get3A_20, %get3A_21] : memref<128x128xf32, #tpu.memory_space<vmem>>, vector<128x128xf32>
    %dot_general3A_23 = arith.constant dense<0.000000e+00> : vector<1000x128xf32>
    %dot_general3A_24 = tpu.matmul %max3A_19, %get3A_22, %dot_general3A_23 {dimension_numbers = #tpu.dot_dimension_numbers<[1], [0], [0], [1], [0, 0, 1, 1], [], []>, transpose_lhs_hint = false} : vector<1000x128xf32>, vector<128x128xf32>, vector<1000x128xf32> -> vector<1000x128xf32>
    %get3A_25 = arith.constant 0 : index
    %get3A_26 = arith.constant 0 : index
    %get3A_27 = vector.load %arg7[%get3A_25, %get3A_26] : memref<1x128xf32, #tpu.memory_space<vmem>>, vector<1x128xf32>
    %add3A_28 = vector.broadcast %get3A_27 : vector<1x128xf32> to vector<1000x128xf32>
    %add3A_29 = arith.addf %dot_general3A_24, %add3A_28 : vector<1000x128xf32>
    %max3A_30 = arith.constant 0.000000e+00 : f32
    %max3A_31 = vector.broadcast %max3A_30 : f32 to vector<1000x128xf32>
    %max3A_32 = arith.maximumf %add3A_29, %max3A_31 : vector<1000x128xf32>
    %get3A_33 = arith.constant 0 : index
    %get3A_34 = arith.constant 0 : index
    %get3A_35 = vector.load %arg8[%get3A_33, %get3A_34] : memref<1x128xf32, #tpu.memory_space<vmem>>, vector<1x128xf32>
    %mul3A = vector.broadcast %get3A_35 : vector<1x128xf32> to vector<1000x128xf32>
    %mul3A_36 = arith.mulf %max3A_32, %mul3A : vector<1000x128xf32>
    %get3A_37 = arith.constant 0 : index
    %get3A_38 = arith.constant 0 : index
    %get3A_39 = vector.load %arg9[%get3A_37, %get3A_38] : memref<1x128xf32, #tpu.memory_space<vmem>>, vector<1x128xf32>
    %add3A_40 = vector.broadcast %get3A_39 : vector<1x128xf32> to vector<1000x128xf32>
    %add3A_41 = arith.addf %mul3A_36, %add3A_40 : vector<1000x128xf32>
    %swap3A = arith.constant 0 : index
    %swap3A_42 = arith.constant 0 : index
    %swap3A_43 = vector.load %arg10[%swap3A, %swap3A_42] : memref<1000x128xf32, #tpu.memory_space<vmem>>, vector<1000x128xf32>
    tpu.vector_store %arg10[%swap3A, %swap3A_42], %add3A_41 {strides = array<i32>} : memref<1000x128xf32, #tpu.memory_space<vmem>>, vector<1000x128xf32>,
    return
  }
  func.func @transform_0(%arg0: i32) -> (i32, i32) {
    %c0_i32 = arith.constant 0 : i32
    %c0_i32_0 = arith.constant 0 : i32
    return %arg0, %c0_i32 : i32, i32
  }
  func.func @transform_1(%arg0: i32) -> (i32, i32) {
    %c0_i32 = arith.constant 0 : i32
    %c0_i32_0 = arith.constant 0 : i32
    return %arg0, %c0_i32 : i32, i32
  }
  func.func @transform_2(%arg0: i32) -> (i32, i32) {
    %c0_i32 = arith.constant 0 : i32
    %c0_i32_0 = arith.constant 0 : i32
    return %arg0, %c0_i32 : i32, i32
  }
  func.func @transform_3(%arg0: i32) -> (i32, i32) {
    %c0_i32 = arith.constant 0 : i32
    %c0_i32_0 = arith.constant 0 : i32
    %c0_i32_1 = arith.constant 0 : i32
    return %c0_i32, %c0_i32_0 : i32, i32
  }
  func.func @transform_4(%arg0: i32) -> (i32, i32) {
    %c0_i32 = arith.constant 0 : i32
    %c0_i32_0 = arith.constant 0 : i32
    %c0_i32_1 = arith.constant 0 : i32
    return %c0_i32, %c0_i32_0 : i32, i32
  }
  func.func @transform_5(%arg0: i32) -> (i32, i32) {
    %c0_i32 = arith.constant 0 : i32
    %c0_i32_0 = arith.constant 0 : i32
    %c0_i32_1 = arith.constant 0 : i32
    return %c0_i32, %c0_i32_0 : i32, i32
  }
  func.func @transform_6(%arg0: i32) -> (i32, i32) {
    %c0_i32 = arith.constant 0 : i32
    %c0_i32_0 = arith.constant 0 : i32
    %c0_i32_1 = arith.constant 0 : i32
    return %c0_i32, %c0_i32_0 : i32, i32
  }
  func.func @transform_7(%arg0: i32) -> (i32, i32) {
    %c0_i32 = arith.constant 0 : i32
    %c0_i32_0 = arith.constant 0 : i32
    %c0_i32_1 = arith.constant 0 : i32
    return %c0_i32, %c0_i32_0 : i32, i32
  }
  func.func @transform_8(%arg0: i32) -> (i32, i32) {
    %c0_i32 = arith.constant 0 : i32
    %c0_i32_0 = arith.constant 0 : i32
    %c0_i32_1 = arith.constant 0 : i32
    return %c0_i32, %c0_i32_0 : i32, i32
  }
  func.func @transform_9(%arg0: i32) -> (i32, i32) {
    %c0_i32 = arith.constant 0 : i32
    %c0_i32_0 = arith.constant 0 : i32
    return %arg0, %c0_i32 : i32, i32
  }
}

module attributes {stable_mosaic.version = 14 : i64} {
  func.func @_final_body(%arg0: i32, %arg1: memref<1000x128xf32, #tpu.memory_space<vmem>>, %arg2: memref<1000x128xf32, #tpu.memory_space<vmem>>, %arg3: memref<1000x128xf32, #tpu.memory_space<vmem>>, %arg4: memref<128x128xf32, #tpu.memory_space<vmem>>, %arg5: memref<128x128xf32, #tpu.memory_space<vmem>>, %arg6: memref<128x128xf32, #tpu.memory_space<vmem>>, %arg7: memref<1x128xf32, #tpu.memory_space<vmem>>, %arg8: memref<128x8xf32, #tpu.memory_space<vmem>>, %arg9: memref<1x8xf32, #tpu.memory_space<vmem>>, %arg10: memref<1000x8xf32, #tpu.memory_space<vmem>>) attributes {dimension_semantics = [#tpu.dimension_semantics<arbitrary>], iteration_bounds = array<i64: 10>, scalar_prefetch = 0 : i64, scratch_operands = 0 : i64, tpu.core_type = #tpu.core_type<tc>, window_params = [{transform_indices = @transform_0, window_bounds = array<i64: 1000, 128>}, {transform_indices = @transform_1, window_bounds = array<i64: 1000, 128>}, {transform_indices = @transform_2, window_bounds = array<i64: 1000, 128>}, {pipeline_mode = #tpu.pipeline_mode<synchronous>, transform_indices = @transform_3, window_bounds = array<i64: 128, 128>}, {pipeline_mode = #tpu.pipeline_mode<synchronous>, transform_indices = @transform_4, window_bounds = array<i64: 128, 128>}, {pipeline_mode = #tpu.pipeline_mode<synchronous>, transform_indices = @transform_5, window_bounds = array<i64: 128, 128>}, {pipeline_mode = #tpu.pipeline_mode<synchronous>, transform_indices = @transform_6, window_bounds = array<i64: 1, 128>}, {pipeline_mode = #tpu.pipeline_mode<synchronous>, transform_indices = @transform_7, window_bounds = array<i64: 128, 8>}, {pipeline_mode = #tpu.pipeline_mode<synchronous>, transform_indices = @transform_8, window_bounds = array<i64: 1, 8>}, {transform_indices = @transform_9, window_bounds = array<i64: 1000, 8>}]} {
    %get3A = arith.constant 0 : index
    %get3A_0 = arith.constant 0 : index
    %get3A_1 = vector.load %arg1[%get3A, %get3A_0] : memref<1000x128xf32, #tpu.memory_space<vmem>>, vector<1000x128xf32>
    %get3A_2 = arith.constant 0 : index
    %get3A_3 = arith.constant 0 : index
    %get3A_4 = vector.load %arg4[%get3A_2, %get3A_3] : memref<128x128xf32, #tpu.memory_space<vmem>>, vector<128x128xf32>
    %dot_general3A = arith.constant dense<0.000000e+00> : vector<1000x128xf32>
    %dot_general3A_5 = tpu.matmul %get3A_1, %get3A_4, %dot_general3A {dimension_numbers = #tpu.dot_dimension_numbers<[1], [0], [0], [1], [0, 0, 1, 1], [], []>, transpose_lhs_hint = false} : vector<1000x128xf32>, vector<128x128xf32>, vector<1000x128xf32> -> vector<1000x128xf32>
    %get3A_6 = arith.constant 0 : index
    %get3A_7 = arith.constant 0 : index
    %get3A_8 = vector.load %arg2[%get3A_6, %get3A_7] : memref<1000x128xf32, #tpu.memory_space<vmem>>, vector<1000x128xf32>
    %get3A_9 = arith.constant 0 : index
    %get3A_10 = arith.constant 0 : index
    %get3A_11 = vector.load %arg5[%get3A_9, %get3A_10] : memref<128x128xf32, #tpu.memory_space<vmem>>, vector<128x128xf32>
    %dot_general3A_12 = arith.constant dense<0.000000e+00> : vector<1000x128xf32>
    %dot_general3A_13 = tpu.matmul %get3A_8, %get3A_11, %dot_general3A_12 {dimension_numbers = #tpu.dot_dimension_numbers<[1], [0], [0], [1], [0, 0, 1, 1], [], []>, transpose_lhs_hint = false} : vector<1000x128xf32>, vector<128x128xf32>, vector<1000x128xf32> -> vector<1000x128xf32>
    %add3A = arith.addf %dot_general3A_5, %dot_general3A_13 : vector<1000x128xf32>
    %get3A_14 = arith.constant 0 : index
    %get3A_15 = arith.constant 0 : index
    %get3A_16 = vector.load %arg3[%get3A_14, %get3A_15] : memref<1000x128xf32, #tpu.memory_space<vmem>>, vector<1000x128xf32>
    %get3A_17 = arith.constant 0 : index
    %get3A_18 = arith.constant 0 : index
    %get3A_19 = vector.load %arg6[%get3A_17, %get3A_18] : memref<128x128xf32, #tpu.memory_space<vmem>>, vector<128x128xf32>
    %dot_general3A_20 = arith.constant dense<0.000000e+00> : vector<1000x128xf32>
    %dot_general3A_21 = tpu.matmul %get3A_16, %get3A_19, %dot_general3A_20 {dimension_numbers = #tpu.dot_dimension_numbers<[1], [0], [0], [1], [0, 0, 1, 1], [], []>, transpose_lhs_hint = false} : vector<1000x128xf32>, vector<128x128xf32>, vector<1000x128xf32> -> vector<1000x128xf32>
    %add3A_22 = arith.addf %add3A, %dot_general3A_21 : vector<1000x128xf32>
    %get3A_23 = arith.constant 0 : index
    %get3A_24 = arith.constant 0 : index
    %get3A_25 = vector.load %arg7[%get3A_23, %get3A_24] : memref<1x128xf32, #tpu.memory_space<vmem>>, vector<1x128xf32>
    %add3A_26 = vector.broadcast %get3A_25 : vector<1x128xf32> to vector<1000x128xf32>
    %add3A_27 = arith.addf %add3A_22, %add3A_26 : vector<1000x128xf32>
    %max3A = arith.constant 0.000000e+00 : f32
    %max3A_28 = vector.broadcast %max3A : f32 to vector<1000x128xf32>
    %max3A_29 = arith.maximumf %add3A_27, %max3A_28 : vector<1000x128xf32>
    %get3A_30 = arith.constant 0 : index
    %get3A_31 = arith.constant 0 : index
    %get3A_32 = vector.load %arg8[%get3A_30, %get3A_31] : memref<128x8xf32, #tpu.memory_space<vmem>>, vector<128x8xf32>
    %dot_general3A_33 = arith.constant dense<0.000000e+00> : vector<1000x8xf32>
    %dot_general3A_34 = tpu.matmul %max3A_29, %get3A_32, %dot_general3A_33 {dimension_numbers = #tpu.dot_dimension_numbers<[1], [0], [0], [1], [0, 0, 1, 1], [], []>, transpose_lhs_hint = false} : vector<1000x128xf32>, vector<128x8xf32>, vector<1000x8xf32> -> vector<1000x8xf32>
    %get3A_35 = arith.constant 0 : index
    %get3A_36 = arith.constant 0 : index
    %get3A_37 = vector.load %arg9[%get3A_35, %get3A_36] : memref<1x8xf32, #tpu.memory_space<vmem>>, vector<1x8xf32>
    %add3A_38 = vector.broadcast %get3A_37 : vector<1x8xf32> to vector<1000x8xf32>
    %add3A_39 = arith.addf %dot_general3A_34, %add3A_38 : vector<1000x8xf32>
    %swap3A = arith.constant 0 : index
    %swap3A_40 = arith.constant 0 : index
    %swap3A_41 = vector.load %arg10[%swap3A, %swap3A_40] : memref<1000x8xf32, #tpu.memory_space<vmem>>, vector<1000x8xf32>
    tpu.vector_store %arg10[%swap3A, %swap3A_40], %add3A_39 {strides = array<i32>} : memref<1000x8xf32, #tpu.memory_space<vmem>>, vector<1000x8xf32>,
    return
  }
  func.func @transform_0(%arg0: i32) -> (i32, i32) {
    %c0_i32 = arith.constant 0 : i32
    %c0_i32_0 = arith.constant 0 : i32
    return %arg0, %c0_i32 : i32, i32
  }
  func.func @transform_1(%arg0: i32) -> (i32, i32) {
    %c0_i32 = arith.constant 0 : i32
    %c0_i32_0 = arith.constant 0 : i32
    return %arg0, %c0_i32 : i32, i32
  }
  func.func @transform_2(%arg0: i32) -> (i32, i32) {
    %c0_i32 = arith.constant 0 : i32
    %c0_i32_0 = arith.constant 0 : i32
    return %arg0, %c0_i32 : i32, i32
  }
  func.func @transform_3(%arg0: i32) -> (i32, i32) {
    %c0_i32 = arith.constant 0 : i32
    %c0_i32_0 = arith.constant 0 : i32
    %c0_i32_1 = arith.constant 0 : i32
    return %c0_i32, %c0_i32_0 : i32, i32
  }
  func.func @transform_4(%arg0: i32) -> (i32, i32) {
    %c0_i32 = arith.constant 0 : i32
    %c0_i32_0 = arith.constant 0 : i32
    %c0_i32_1 = arith.constant 0 : i32
    return %c0_i32, %c0_i32_0 : i32, i32
  }
  func.func @transform_5(%arg0: i32) -> (i32, i32) {
    %c0_i32 = arith.constant 0 : i32
    %c0_i32_0 = arith.constant 0 : i32
    %c0_i32_1 = arith.constant 0 : i32
    return %c0_i32, %c0_i32_0 : i32, i32
  }
  func.func @transform_6(%arg0: i32) -> (i32, i32) {
    %c0_i32 = arith.constant 0 : i32
    %c0_i32_0 = arith.constant 0 : i32
    %c0_i32_1 = arith.constant 0 : i32
    return %c0_i32, %c0_i32_0 : i32, i32
  }
  func.func @transform_7(%arg0: i32) -> (i32, i32) {
    %c0_i32 = arith.constant 0 : i32
    %c0_i32_0 = arith.constant 0 : i32
    %c0_i32_1 = arith.constant 0 : i32
    return %c0_i32, %c0_i32_0 : i32, i32
  }
  func.func @transform_8(%arg0: i32) -> (i32, i32) {
    %c0_i32 = arith.constant 0 : i32
    %c0_i32_0 = arith.constant 0 : i32
    %c0_i32_1 = arith.constant 0 : i32
    return %c0_i32, %c0_i32_0 : i32, i32
  }
  func.func @transform_9(%arg0: i32) -> (i32, i32) {
    %c0_i32 = arith.constant 0 : i32
    %c0_i32_0 = arith.constant 0 : i32
    return %arg0, %c0_i32 : i32, i32
  }
}

</mosaic_0001>

<sc_bundles>
// kernel: closed_call.11.cloned.1.call-start
scs
__scs_entry_jumppad:
0x0: {  	(pc) =	sbr.rel $0x88, $3  }
0x1: {  	(tag) =	ssettag $0x0;
	lr =	simm.s32 $0x1  }
0x2: {  	[smem:$0x3F88] =	sst lr;
	_ =	strace $0xD0000000  }
0x3: {  	_ = 	snop  }
0x4: {  	_ = 	snop  }
0x5: {  	_ = 	snop  }
0x6: {  	_ = 	snop  }
0x7: {  	_ = 	snop  }
__scs_overlays_trampoline_lowered:
0x8: {  	[smem:$0x3F97] =	sst s0  }
0x9: {  	[smem:$0x3F98] =	sst s1  }
0xa: {  	[smem:$0x3F99] =	sst s2  }
0xb: {  	[smem:$0x3F9A] =	sst s3  }
0xc: {  	[smem:$0x3F9B] =	sst s4  }
0xd: {  	[smem:$0x3F9C] =	sst s5  }
0xe: {  	[smem:$0x3F9D] =	sst s6  }
0xf: {  	[smem:$0x3F9E] =	sst s7  }
0x10: {  	[smem:$0x3F9F] =	sst s8  }
0x11: {  	[smem:$0x3FA0] =	sst s9;
	s0 =	simm.s32 @!p0 $0x0  }
0x12: {  	s1 =	sld [smem:$0x3F86];
	s0 =	simm.s32 @p0 $0x1  }
0x13: {  	[smem:$0x3FA1] =	sst s0;
	s0 =	simm.s32 @!p1 $0x0  }
0x14: {  	s2 =	sld [smem:$0x3F85];
	s0 =	simm.s32 @p1 $0x1  }
0x15: {  	[smem:$0x3FA2] =	sst s0;
	s0 =	simm.s32 @!p2 $0x0  }
0x16: {  	s3 =	sld [smem:$0x3FDB];
	s0 =	simm.s32 @p2 $0x1  }
0x17: {  	s4 =	simm.s32 $0x1BF5;
	[smem:$0x3FA4] =	sst s0  }
0x18: {  	s0 =	sld [smem:$0x3F87];
	_ =	swait.ge [sflag:s4], $0x0  }
0x19: {  	s7 =	sld [smem:$0x3F88]  }
0x1a: {  	s8 =	sadd.s32 $0xFFFFE003, lr  }
0x1b: {  	s9 =	sadd.s32 $0xFFFFFEF7, lr;
	s5 =	simm.s32 $0xFFFFFFFF;
	p2 =	slt.u32 s8, $0xFFFFF086  }
0x1c: {  	p1 =	slt.u32 s9, $0xF7A;
	s5 =	simm.s32 @!p2 $0x0  }
0x1d: {  	s5 =	simm.s32 @p1 $0x1;
	p0 =	seq.s32 s7, s2  }
0x1e: {  	s7 =	smul.u32 @!p0 $0xF7A, s2;
	p2 =	seq.s32 @!p0 s5, $0x0  }
0x1f: {  	s9 =	smul.u32 $0xF7A, s1;
	s8 =	simm.s32 @!p0 $0x1BF5;
	p2 =	por !p2, p0  }
0x20: {  	[sflag:s8] =	ssyncset.s32 @!p0 $0xFFFFF086;
	s6 =	sadd.s32 @!p0 s3, s7;
	s7 =	simm.s32 @!p0 $0x108  }
0x21: {  	s3 =	sadd.s32 s3, s9;
	s6 =	sadd.s32 @!p0 $0x88, s6;
	s7 =	simm.s32 @p2 $0x1082  }
0x22: {  	[simem:s7], [sflag:s8] =	dma.local @!p0 [hbm:s6], $0xF7A  }
0x23: {  	s9 =	sor.u32 $0xD0000000, s2;
	s6 =	simm.s32 $0x108;
	_ =	swait.ge @!p0 [sflag:s8], $0x0  }
0x24: {  	s3 =	sadd.s32 $0x88, s3;
	s6 =	simm.s32 @!p1 $0x1082;
	[sflag:s4] =	ssyncset.s32 $0xFFFFF086  }
0x25: {  	[simem:s6], [sflag:s4] =	dma.local [hbm:s3], $0xF7A  }
0x26: {  	[smem:$0x3F88] =	sst s1;
	(tag) =	ssettag s2;
	_ =	strace s9  }
0x27: {  	s1 =	sld [smem:$0x3F98]  }
0x28: {  	s2 =	sld [smem:$0x3F99]  }
0x29: {  	s4 =	sld [smem:$0x3F9B]  }
0x2a: {  	p0 =	seq.s32 s5, $0x0;
	s5 =	sld [smem:$0x3F9C]  }
0x2b: {  	s6 =	sld [smem:$0x3F9D]  }
0x2c: {  	s7 =	sld [smem:$0x3F9E]  }
0x2d: {  	s3 =	simm.s32 $0x108;
	s8 =	sld [smem:$0x3F9F]  }
0x2e: {  	s3 =	simm.s32 @!p0 $0x1082;
	s9 =	sld [smem:$0x3FA0]  }
0x2f: {  	lr =	sadd.s32 s0, s3;
	s0 =	sld [smem:$0x3F97]  }
0x30: {  	s3 =	sld [smem:$0x3F9A]  }
0x31: {  	[smem:$0x3FA3] =	sst s10  }
0x32: {  	s10 =	sld [smem:$0x3FA1];
	_ =	sdelay $0x3  }
0x33: {  	p0 =	seq.s32 s10, $0x1;
	s10 =	sld [smem:$0x3FA3];
	_ =	sdelay $0x3  }
0x34: {  	[smem:$0x3FA3] =	sst s10  }
0x35: {  	s10 =	sld [smem:$0x3FA2];
	_ =	sdelay $0x3  }
0x36: {  	p1 =	seq.s32 s10, $0x1;
	s10 =	sld [smem:$0x3FA3];
	_ =	sdelay $0x3  }
0x37: {  	[smem:$0x3FA3] =	sst s10  }
0x38: {  	s10 =	sld [smem:$0x3FA4]  }
0x39: {  	_ = 	snop;
	(pc) =	sbr.ind lr, $3  }
0x3a: {  	_ = 	snop  }
0x3b: {  	_ = 	snop  }
0x3c: {  	p2 =	seq.s32 s10, $0x1;
	s10 =	sld [smem:$0x3FA3]  }
0x3d: {  	_ =	shalt  }
0x3e: {  	_ =	shalt  }
0x3f: {  	_ =	shalt  }
0x40: {  	_ =	shalt  }
0x41: {  	_ =	shalt  }
0x42: {  	_ =	shalt  }
0x43: {  	_ =	shalt  }
0x44: {  	_ =	shalt  }
0x45: {  	_ =	shalt  }
0x46: {  	_ =	shalt  }
0x47: {  	_ =	shalt  }
0x48: {  	_ =	shalt  }
0x49: {  	_ =	shalt  }
0x4a: {  	_ =	shalt  }
0x4b: {  	_ =	shalt  }
0x4c: {  	_ =	shalt  }
0x4d: {  	_ =	shalt  }
0x4e: {  	_ =	shalt  }
0x4f: {  	_ =	shalt  }
0x50: {  	_ =	shalt  }
0x51: {  	_ =	shalt  }
0x52: {  	_ =	shalt  }
0x53: {  	_ =	shalt  }
0x54: {  	_ =	shalt  }
0x55: {  	_ =	shalt  }
0x56: {  	_ =	shalt  }
0x57: {  	_ =	shalt  }
0x58: {  	_ =	shalt  }
0x59: {  	_ =	shalt  }
0x5a: {  	_ =	shalt  }
0x5b: {  	_ =	shalt  }
0x5c: {  	_ =	shalt  }
0x5d: {  	_ =	shalt  }
0x5e: {  	_ =	shalt  }
0x5f: {  	_ =	shalt  }
0x60: {  	_ =	shalt  }
0x61: {  	_ =	shalt  }
0x62: {  	_ =	shalt  }
0x63: {  	_ =	shalt  }
0x64: {  	_ =	shalt  }
0x65: {  	_ =	shalt  }
0x66: {  	_ =	shalt  }
0x67: {  	_ =	shalt  }
0x68: {  	_ =	shalt  }
0x69: {  	_ =	shalt  }
0x6a: {  	_ =	shalt  }
0x6b: {  	_ =	shalt  }
0x6c: {  	_ =	shalt  }
0x6d: {  	_ =	shalt  }
0x6e: {  	_ =	shalt  }
0x6f: {  	_ =	shalt  }
0x70: {  	_ =	shalt  }
0x71: {  	_ =	shalt  }
0x72: {  	_ =	shalt  }
0x73: {  	_ =	shalt  }
0x74: {  	_ =	shalt  }
0x75: {  	_ =	shalt  }
0x76: {  	_ =	shalt  }
0x77: {  	_ =	shalt  }
0x78: {  	_ =	shalt  }
0x79: {  	_ =	shalt  }
0x7a: {  	_ =	shalt  }
0x7b: {  	_ =	shalt  }
0x7c: {  	_ =	shalt  }
0x7d: {  	_ =	shalt  }
0x7e: {  	_ =	shalt  }
0x7f: {  	_ =	shalt  }
0x80: {  	_ =	shalt  }
0x81: {  	_ =	shalt  }
0x82: {  	_ =	shalt  }
0x83: {  	_ =	shalt  }
0x84: {  	_ =	shalt  }
0x85: {  	_ =	shalt  }
0x86: {  	_ =	shalt  }
0x87: {  	_ =	shalt  }
.Lfunc_end0:
.L_simem_size_0:
called_computation_lowered:
.L_overlay_start_0:
0x88: {  	s2 =	sld [smem:$0x3FD9]  }
0x89: {  	s3 =	sld [smem:$0x3FFE];
	_ =	sdelay $0x1  }
0x8a: {  	s1 =	srdreg.scid  }
0x8b: {  	s0 =	sand.u32 $0x1, s1  }
0x8c: {  	s16 =	sshll.u32 s0, $0xA;
	s2 =	sadd.s32 s3, s2  }
0x8d: {  	s2 =	sadd.s32 s2, s16  }
0x8e: {  	[smem:$0x3FAF] =	sst s2  }
0x8f: {  	_ = 	snop  }
0x90: {  	(tm) =	ssettm $0x1  }
0x91: {  	s17 =	sld [smem:$0x3FFB];
	_ =	sdelay $0x3  }
0x92: {  	_ =	strace s17  }
0x93: {  	s2 =	sld [smem:$0x3FFC];
	_ =	sdelay $0x3  }
0x94: {  	_ =	strace s2  }
0x95: {  	s2 =	sld [smem:$0x3FFD];
	_ =	sdelay $0x3  }
0x96: {  	_ =	strace s2  }
0x97: {  	_ =	strace $0x8FFFFFFF  }
0x98: {  	s18 =	sld [smem:$0x3FDB];
	_ =	sdelay $0x1  }
0x99: {  	s19 =	simm.s32 $_scs_section_size  }
0x9a: {  	s4 =	simm.s32 $_size__tile_overlayer_lowered;
	s5 =	simm.s32 $_tile_overlayer_lowered  }
0x9b: {  	s22 =	simm.s32 $0x1BFF;
	s21 =	sshll.u32 s5, $0x1;
	s2 =	sadd.s32 s19, s18  }
0x9c: {  	s6 =	simm.s32 $0x0;
	s20 =	sshll.u32 s4, $0x1;
	s4 =	sadd.s32 s21, s2  }
0x9d: {  	[timem:s6], [sflag:s22] =	dma.local [hbm:s4], s20  }
0x9e: {  	_ =	swait.ge [sflag:s22], s20  }
0x9f: {  	s3 =	ssub.s32 $0x0, s20;
	[sflag:s22] =	ssyncset.done $0x0  }
0xa0: {  	[sflag:s22] =	ssyncadd.s32 s3;
	_ =	sdelay $0x1  }
0xa1: {  	s23 =	simm.s32 $0x1B8B  }
0xa2: {  	_ =	swait.ge [sflag:s23], $0x1  }
0xa3: {  	[sflag:s23] =	ssyncset.done $0x0  }
0xa4: {  	s25 =	simm.s32 $0x1B8E;
	s24 =	sld [smem:$0x3FFE];
	[sflag:s23] =	ssyncadd.s32 $0xFFFFFFFF  }
0xa5: {  	s26 =	simm.s32 $execute0_lowered;
	[smem:$0x3FD2] =	sst s25  }
0xa6: {  	s4 =	sshll.u32 s26, $0x1;
	_ =	strace $0x80000049;
	[dreg:$0x1] =	wrdreg $0xFFFFFFFF  }
0xa7: {  	s28 =	simm.s32 $_size_execute0_lowered;
	s2 =	sadd.s32 s2, s4;
	[dreg:$0x0] =	wrdreg $0x0  }
0xa8: {  	s4 =	sshll.u32 s28, $0x1;
	[dreg:$0x2] =	wrdreg s2  }
0xa9: {  	[dreg:$0x3] =	wrdreg s4  }
0xaa: {  	[dreg:$0x4] =	wrdreg $0xC0  }
0xab: {  	_ =	task [dreg:s6], $0x5FFFF  }
0xac: {  	[dreg:$0x1] =	wrdreg $0xFFFFFFFF  }
0xad: {  	[dreg:$0x0] =	wrdreg $0x60  }
0xae: {  	[dreg:$0x2] =	wrdreg s24  }
0xaf: {  	[dreg:$0x3] =	wrdreg $0x82000  }
0xb0: {  	[dreg:$0x4] =	wrdreg $0x9  }
0xb1: {  	_ =	task.clear_ibuf [dreg:s6], $0x5FFFF;
	_ =	strace $0x90000049  }
0xb2: {  	s29 =	simm.s32 $0x9;
	_ =	strace $0x8000004B  }
0xb3: {  	_ =	swait.ge [sflag:s29], $0x1  }
0xb4: {  	[sflag:s29] =	ssyncadd.s32 $0xFFFFFFFF  }
0xb5: {  	_ =	strace $0x9000004B  }
0xb6: {  	_ =	sfence  }
0xb7: {  	s30 =	sld [smem:$0x0];
	_ =	sdelay $0x2  }
0xb8: {  	s31 =	sshll.u32 s1, $0xD;
	s1 =	sshrl.u32 s1, $0x2  }
0xb9: {  	s3 =	sand.u32 $0x4000, s31;
	s1 =	sadd.s32 s1, s30  }
0xba: {  	s0 =	sor.u32 s3, s0;
	s1 =	sshll.u32 s1, $0x11  }
0xbb: {  	s0 =	sor.u32 s1, s0  }
0xbc: {  	s0 =	sadd.s32 $0x8F2B, s0  }
0xbd: {  	[sflag:s0] =	ssyncadd.remote.s32 $0x1  }
0xbe: {  	_ =	sfence.sel $0xFFFF  }
0xbf: {  	[dreg:$0x0] =	wrdreg $0xFFFFFFFF;
	(pc) =	sbr.abs _section_cstart, $3  }
0xc0: {  	[dreg:$0x1] =	wrdreg $0xFFFFFFFF  }
0xc1: {  	_ =	task.clear_ibuf [dreg:s6], $0x2FFFF;
	_ =	strace $0x9FFFFFFF  }
0xc2: {  	(tm) =	ssettm $0x7FFFFFFF  }
0xc3: {  	_ =	shalt  }
tec
execute0_lowered:
.L_overlay_start_1:
0x0: {  	(tag) =	ssettag $0x1  }
0x1: {  	s0 =	rddreg [dreg:$0x0]  }
0x2: {  	s2 =	rddreg [dreg:$0x1]  }
0x3: {  	s1 =	srdreg.scid;
	s15 =	stileid.u32  }
0x4: {  	s3 =	simm.s32 $0x0;
	s28 =	simm.s32 $0x80;
	s29 =	simm.s32 $0x180  }
0x5: {  	s30 =	simm.s32 $0x4200;
	s31 =	simm.s32 $0x1;
	s4 =	smul.u32 $0x280, s15  }
0x6: {  	s1 =	sand.u32 $0x1, s1;
	[smem:$0x7FF] =	sst s3;
	s6 =	smul.u32 $0x50000, s15  }
0x7: {  	s11 =	sadd.s32 $0x5800, s0;
	s12 =	sadd.s32 $0xF800, s0;
	s24 =	smul.u32 $0x5000, s15  }
0x8: {  	s19 =	sshll.u32 s15, $0x1;
	s10 =	smul.u32 $0x2800, s1;
	_ =	strace $0x8000004A  }
0x9: {  	s8 =	ssub.s32 $0x2, s1;
	s1 =	sor.u32 s1, s19;
	s20 =	sshrl.u32 s6, $0x2  }
0xa: {  	s21 =	sshrl.u32 s8, $0x1;
	s1 =	smul.u32 $0x2800, s1;
	s5 =	sadd.s32 s4, s10  }
0xb: {  	s4 =	sadd.s32 $0xA4E00, s0;
	s13 =	ssub.s32 s8, s21;
	s7 =	sshll.u32 s5, $0x4  }
0xc: {  	s5 =	sadd.s32 s20, s2;
	s1 =	sshrl.u32 s1, $0x3;
	s19 =	smax.u32 s13, $0x1  }
0xd: {  	s0 =	sadd.s32 s7, s0;
	s6 =	sadd.s32 $0x4000, s5;
	s7 =	sadd.s32 $0x8000, s5  }
0xe: {  	s8 =	sadd.s32 $0xC000, s5;
	s9 =	sadd.s32 $0x10000, s5;
	s14 =	sadd.s32 s11, s1  }
0xf: {  	s22 =	sor.u32 $0x10, s1;
	s1 =	sadd.s32 s12, s1;
	[dreg:$0x3] =	wrdreg s14  }
0x10: {  	[dreg:$0x4] =	wrdreg s1;
	s23 =	sadd.s32 s11, s22;
	s14 =	sadd.s32 s12, s22  }
0x11: {  	s25 =	sadd.s32 $0xCC000, s0;
	s15 =	sadd.s32 $0xCC800, s0;
	s16 =	sadd.s32 $0xCD000, s0  }
0x12: {  	s17 =	sadd.s32 $0xCD800, s0;
	s1 =	sadd.s32 s10, s24;
	[dreg:$0x5] =	wrdreg s23  }
0x13: {  	s18 =	sadd.s32 $0xCE000, s0;
	s24 =	simm.s32 $0x200;
	[dreg:$0x6] =	wrdreg s14  }
0x14: {  	s10 =	simm.s32 $0x4;
	[dreg:$0x7] =	wrdreg s25;
	s26 =	sor.u32 $0x180, s1  }
0x15: {  	s1 =	sor.u32 $0x100, s1;
	s25 =	simm.s32 $0x5;
	s0 =	sshrl.u32 s26, $0x3  }
0x16: {  	s1 =	sshrl.u32 s1, $0x3;
	s26 =	simm.s32 $0x100;
	s20 =	sadd.s32 s0, s12  }
0x17: {  	s21 =	sadd.s32 s0, s11;
	s22 =	sadd.s32 s1, s12;
	s23 =	sadd.s32 s1, s11  }
0x18: {  	v0 =	vimm.f32 $0.0e+00;
	s0 =	simm.s32 $0x2;
	s1 =	simm.s32 $0x3;
	s11 =	simm.s32 $0x0  }
.LBB2_1:
0x19: {  	s12 =	simm.s32 $0x0;
	s13 =	simm.s32 $0x200  }
.LBB2_2:
0x1a: {  	p0 =	sne.s32 s13, $0xFE00;
	[tilespmem:s12+$0x270] =	vst v0  }
0x1b: {  	[tilespmem:s12+$0x200] =	vst v0  }
0x1c: {  	[tilespmem:s12+$0x210] =	vst v0  }
.Ltmp0:
0x1d: {  	[tilespmem:s12+$0x220] =	vst v0;
	(pc) =	sbr.rel @p0 .LBB2_2-.Ltmp0, $4  }
0x1e: {  	[tilespmem:s12+$0x230] =	vst v0  }
0x1f: {  	[tilespmem:s12+$0x240] =	vst v0  }
0x20: {  	[tilespmem:s12+$0x250] =	vst v0  }
0x21: {  	[tilespmem:s12+$0x260] =	vst v0;
	s12 =	sshra.s32 s13, $0x2;
	s13 =	sadd.s32 $0x200, s13  }
0x22: {  	[tilespmem:s12+$0x270] =	vst v0  }
0x23: {  	[tilespmem:s12+$0x200] =	vst v0  }
0x24: {  	[tilespmem:s12+$0x210] =	vst v0  }
0x25: {  	[tilespmem:s12+$0x220] =	vst v0  }
0x26: {  	[tilespmem:s12+$0x230] =	vst v0  }
0x27: {  	[tilespmem:s12+$0x240] =	vst v0  }
0x28: {  	[tilespmem:s12+$0x250] =	vst v0  }
0x29: {  	[tilespmem:s12+$0x260] =	vst v0  }
0x2a: {  	[spmem:s5] =	stream.linear.scatter [tilespmem:s24], [sflag:$0x5], $0x4000, $0x38;
	[tilespmem:$0x1C200] =	vst v63  }
0x2b: {  	_ =	swait.ge [sflag:s25], $0x4000  }
0x2c: {  	[sflag:s25] =	ssyncset.done $0x0  }
0x2d: {  	[sflag:s25] =	ssyncadd.s32 $0xFFFFC000  }
0x2e: {  	[spmem:s6] =	stream.linear.scatter [tilespmem:s24], [sflag:$0x5], $0x4000, $0x38;
	[tilespmem:$0x1C200] =	vst v63  }
0x2f: {  	_ =	swait.ge [sflag:s25], $0x4000  }
0x30: {  	[sflag:s25] =	ssyncset.done $0x0  }
0x31: {  	[sflag:s25] =	ssyncadd.s32 $0xFFFFC000  }
0x32: {  	[spmem:s7] =	stream.linear.scatter [tilespmem:s24], [sflag:$0x5], $0x4000, $0x38;
	[tilespmem:$0x1C200] =	vst v63  }
0x33: {  	_ =	swait.ge [sflag:s25], $0x4000  }
0x34: {  	[sflag:s25] =	ssyncset.done $0x0  }
0x35: {  	[sflag:s25] =	ssyncadd.s32 $0xFFFFC000  }
0x36: {  	[spmem:s8] =	stream.linear.scatter [tilespmem:s24], [sflag:$0x5], $0x4000, $0x38;
	[tilespmem:$0x1C200] =	vst v63  }
0x37: {  	_ =	swait.ge [sflag:s25], $0x4000  }
0x38: {  	[sflag:s25] =	ssyncset.done $0x0  }
0x39: {  	[sflag:s25] =	ssyncadd.s32 $0xFFFFC000  }
0x3a: {  	[spmem:s9] =	stream.linear.scatter [tilespmem:s24], [sflag:$0x5], $0x4000, $0x38;
	[tilespmem:$0x1C200] =	vst v63  }
0x3b: {  	_ =	swait.ge [sflag:s25], $0x4000  }
0x3c: {  	[sflag:s25] =	ssyncset.done $0x0  }
0x3d: {  	[sflag:s25] =	ssyncadd.s32 $0xFFFFC000  }
0x3e: {  	[bflag:$0x0] =	sbarrier.arrive $0xFFFF  }
0x3f: {  	s12 =	simm.s32 $0x0;
	s13 =	rddreg [dreg:$0x3]  }
0x40: {  	[tilespmem:s12], [sflag:$0x5] =	stream.linear.gather [hbm4b:s13+s12], $0x80, $0x38;
	[tilespmem:$0x1C200] =	vst v63  }
0x41: {  	_ =	swait.ge [sflag:s25], $0x80  }
0x42: {  	[sflag:s25] =	ssyncset.done $0x0  }
0x43: {  	s14 =	rddreg [dreg:$0x4];
	[sflag:s25] =	ssyncadd.s32 $0xFFFFFF80  }
0x44: {  	[tilespmem:s26], [sflag:$0x5] =	stream.linear.gather [hbm4b:s14+s12], $0x80, $0x38;
	[tilespmem:$0x1C200] =	vst v63  }
0x45: {  	_ =	swait.ge [sflag:s25], $0x80  }
0x46: {  	[sflag:s25] =	ssyncset.done $0x0  }
0x47: {  	s14 =	rddreg [dreg:$0x5];
	[sflag:s25] =	ssyncadd.s32 $0xFFFFFF80  }
0x48: {  	[tilespmem:s28], [sflag:$0x5] =	stream.linear.gather [hbm4b:s14+s12], $0x80, $0x38;
	[tilespmem:$0x1C200] =	vst v63  }
0x49: {  	_ =	swait.ge [sflag:s25], $0x80  }
0x4a: {  	[sflag:s25] =	ssyncset.done $0x0  }
0x4b: {  	s14 =	rddreg [dreg:$0x6];
	[sflag:s25] =	ssyncadd.s32 $0xFFFFFF80  }
0x4c: {  	[tilespmem:s29], [sflag:$0x5] =	stream.linear.gather [hbm4b:s14+s12], $0x80, $0x38;
	[tilespmem:$0x1C200] =	vst v63  }
0x4d: {  	_ =	swait.ge [sflag:s25], $0x80  }
0x4e: {  	[sflag:s25] =	ssyncset.done $0x0  }
0x4f: {  	[sflag:s25] =	ssyncadd.s32 $0xFFFFFF80  }
0x50: {  	[tilespmem:s24], [sflag:$0x1] =	stream.indirect.gather [hbm4b:s4+s28], $0x80, s3, s28, $0xb8;
	[tilespmem:$0x1C200] =	vst v63  }
0x51: {  	_ = 	snop  }
0x52: {  	[tilespmem:s30], [sflag:$0x2] =	stream.indirect.gather [hbm4b:s4+s28], $0x80, s28, s28, $0xb8;
	[tilespmem:$0x1C200] =	vst v63  }
0x53: {  	_ =	swait.ge [sflag:s31], $0x4000  }
0x54: {  	[sflag:s31] =	ssyncset.done $0x0  }
0x55: {  	[sflag:s31] =	ssyncadd.s32 $0xFFFFC000  }
0x56: {  	[spmem:s2] =	stream.indirect.scatter.add.f32 [tilespmem:s24], [sflag:$0x5], $0x80, s26, s28, $0xb8;
	[tilespmem:$0x1C200] =	vst v63  }
0x57: {  	_ =	swait.ge [sflag:s25], $0x4000  }
0x58: {  	[sflag:s25] =	ssyncset.done $0x0  }
0x59: {  	s13 =	sadd.s32 $0x0, s23;
	[sflag:s25] =	ssyncadd.s32 $0xFFFFC000  }
0x5a: {  	[tilespmem:s3], [sflag:$0x3] =	stream.linear.gather [hbm4b:s13+s3], $0x80, $0x38;
	[tilespmem:$0x1C200] =	vst v63  }
0x5b: {  	s14 =	sadd.s32 $0x0, s22  }
0x5c: {  	[tilespmem:s26], [sflag:$0x3] =	stream.linear.gather [hbm4b:s14+s3], $0x80, $0x38;
	[tilespmem:$0x1C200] =	vst v63  }
0x5d: {  	_ =	swait.ge [sflag:s0], $0x4000  }
0x5e: {  	[sflag:s0] =	ssyncset.done $0x0  }
0x5f: {  	[sflag:s0] =	ssyncadd.s32 $0xFFFFC000  }
0x60: {  	[spmem:s2] =	stream.indirect.scatter.add.f32 [tilespmem:s30], [sflag:$0x5], $0x80, s29, s28, $0xb8;
	[tilespmem:$0x1C200] =	vst v63  }
0x61: {  	_ =	swait.ge [sflag:s25], $0x4000  }
0x62: {  	[sflag:s25] =	ssyncset.done $0x0  }
0x63: {  	s13 =	sadd.s32 $0x0, s21;
	[sflag:s25] =	ssyncadd.s32 $0xFFFFC000  }
0x64: {  	[tilespmem:s28], [sflag:$0x4] =	stream.linear.gather [hbm4b:s13+s3], $0x80, $0x38;
	[tilespmem:$0x1C200] =	vst v63  }
0x65: {  	s14 =	sadd.s32 $0x0, s20  }
0x66: {  	[tilespmem:s29], [sflag:$0x4] =	stream.linear.gather [hbm4b:s14+s3], $0x80, $0x38;
	[tilespmem:$0x1C200] =	vst v63  }
0x67: {  	_ =	swait.ge [sflag:s1], $0x80  }
0x68: {  	[sflag:s1] =	ssyncset.done $0x0  }
0x69: {  	[sflag:s1] =	ssyncadd.s32 $0xFFFFFF80  }
0x6a: {  	_ =	swait.ge [sflag:s1], $0x80  }
0x6b: {  	[sflag:s1] =	ssyncset.done $0x0  }
0x6c: {  	[sflag:s1] =	ssyncadd.s32 $0xFFFFFF80  }
0x6d: {  	_ =	swait.ge [sflag:s10], $0x80  }
0x6e: {  	[sflag:s10] =	ssyncset.done $0x0  }
0x6f: {  	[sflag:s10] =	ssyncadd.s32 $0xFFFFFF80  }
0x70: {  	_ =	swait.ge [sflag:s10], $0x80  }
0x71: {  	s12 =	simm.s32 $0x20;
	[sflag:s10] =	ssyncset.done $0x0  }
.LBB2_4:
0x72: {  	p0 =	sne.s32 s12, $0x4C0  }
0x73: {  	[sflag:s10] =	ssyncadd.s32 $0xFFFFFF80;
	s13 =	smov.u32 s12;
	s12 =	sadd.s32 $0x20, s12  }
0x74: {  	[tilespmem:s24], [sflag:$0x1] =	stream.indirect.gather [hbm4b:s4+s28], $0x80, s3, s28, $0xb8;
	[tilespmem:$0x1C200] =	vst v63  }
0x75: {  	_ = 	snop  }
0x76: {  	[tilespmem:s30], [sflag:$0x2] =	stream.indirect.gather [hbm4b:s4+s28], $0x80, s28, s28, $0xb8;
	[tilespmem:$0x1C200] =	vst v63  }
0x77: {  	_ =	swait.ge [sflag:s31], $0x4000  }
0x78: {  	[sflag:s31] =	ssyncset.done $0x0  }
0x79: {  	[sflag:s31] =	ssyncadd.s32 $0xFFFFC000  }
0x7a: {  	[spmem:s2] =	stream.indirect.scatter.add.f32 [tilespmem:s24], [sflag:$0x5], $0x80, s26, s28, $0xb8;
	[tilespmem:$0x1C200] =	vst v63  }
0x7b: {  	_ =	swait.ge [sflag:s25], $0x4000  }
0x7c: {  	[sflag:s25] =	ssyncset.done $0x0  }
0x7d: {  	s14 =	sadd.s32 s13, s23;
	[sflag:s25] =	ssyncadd.s32 $0xFFFFC000  }
0x7e: {  	[tilespmem:s3], [sflag:$0x3] =	stream.linear.gather [hbm4b:s14+s3], $0x80, $0x38;
	[tilespmem:$0x1C200] =	vst v63  }
0x7f: {  	s14 =	sadd.s32 s13, s22  }
0x80: {  	[tilespmem:s26], [sflag:$0x3] =	stream.linear.gather [hbm4b:s14+s3], $0x80, $0x38;
	[tilespmem:$0x1C200] =	vst v63  }
0x81: {  	_ =	swait.ge [sflag:s0], $0x4000  }
0x82: {  	[sflag:s0] =	ssyncset.done $0x0  }
0x83: {  	[sflag:s0] =	ssyncadd.s32 $0xFFFFC000  }
0x84: {  	[spmem:s2] =	stream.indirect.scatter.add.f32 [tilespmem:s30], [sflag:$0x5], $0x80, s29, s28, $0xb8;
	[tilespmem:$0x1C200] =	vst v63  }
0x85: {  	_ =	swait.ge [sflag:s25], $0x4000  }
0x86: {  	[sflag:s25] =	ssyncset.done $0x0  }
0x87: {  	s14 =	sadd.s32 s13, s21;
	[sflag:s25] =	ssyncadd.s32 $0xFFFFC000  }
0x88: {  	[tilespmem:s28], [sflag:$0x4] =	stream.linear.gather [hbm4b:s14+s3], $0x80, $0x38;
	[tilespmem:$0x1C200] =	vst v63  }
0x89: {  	s13 =	sadd.s32 s13, s20  }
0x8a: {  	[tilespmem:s29], [sflag:$0x4] =	stream.linear.gather [hbm4b:s13+s3], $0x80, $0x38;
	[tilespmem:$0x1C200] =	vst v63  }
0x8b: {  	_ =	swait.ge [sflag:s1], $0x80  }
0x8c: {  	[sflag:s1] =	ssyncset.done $0x0  }
0x8d: {  	[sflag:s1] =	ssyncadd.s32 $0xFFFFFF80  }
0x8e: {  	_ =	swait.ge [sflag:s1], $0x80  }
0x8f: {  	[sflag:s1] =	ssyncset.done $0x0  }
0x90: {  	[sflag:s1] =	ssyncadd.s32 $0xFFFFFF80  }
.Ltmp1:
0x91: {  	_ =	swait.ge [sflag:s10], $0x80;
	(pc) =	sbr.rel @p0 .LBB2_4-.Ltmp1, $4  }
0x92: {  	[sflag:s10] =	ssyncset.done $0x0  }
0x93: {  	[sflag:s10] =	ssyncadd.s32 $0xFFFFFF80  }
0x94: {  	_ =	swait.ge [sflag:s10], $0x80  }
0x95: {  	[sflag:s10] =	ssyncset.done $0x0  }
0x96: {  	[sflag:s10] =	ssyncadd.s32 $0xFFFFFF80  }
0x97: {  	[tilespmem:s24], [sflag:$0x1] =	stream.indirect.gather [hbm4b:s4+s28], $0x80, s3, s28, $0xb8;
	[tilespmem:$0x1C200] =	vst v63  }
0x98: {  	_ = 	snop  }
0x99: {  	[tilespmem:s30], [sflag:$0x2] =	stream.indirect.gather [hbm4b:s4+s28], $0x80, s28, s28, $0xb8;
	[tilespmem:$0x1C200] =	vst v63  }
0x9a: {  	_ =	swait.ge [sflag:s31], $0x4000  }
0x9b: {  	[sflag:s31] =	ssyncset.done $0x0  }
0x9c: {  	[sflag:s31] =	ssyncadd.s32 $0xFFFFC000  }
0x9d: {  	[spmem:s2] =	stream.indirect.scatter.add.f32 [tilespmem:s24], [sflag:$0x5], $0x80, s26, s28, $0xb8;
	[tilespmem:$0x1C200] =	vst v63  }
0x9e: {  	_ =	swait.ge [sflag:s25], $0x4000  }
0x9f: {  	[sflag:s25] =	ssyncset.done $0x0  }
0xa0: {  	[sflag:s25] =	ssyncadd.s32 $0xFFFFC000  }
0xa1: {  	_ =	swait.ge [sflag:s0], $0x4000  }
0xa2: {  	[sflag:s0] =	ssyncset.done $0x0  }
0xa3: {  	[sflag:s0] =	ssyncadd.s32 $0xFFFFC000  }
0xa4: {  	[spmem:s2] =	stream.indirect.scatter.add.f32 [tilespmem:s30], [sflag:$0x5], $0x80, s29, s28, $0xb8;
	[tilespmem:$0x1C200] =	vst v63  }
0xa5: {  	_ =	swait.ge [sflag:s25], $0x4000  }
0xa6: {  	[sflag:s25] =	ssyncset.done $0x0  }
0xa7: {  	s12 =	stileid.u32;
	[sflag:s25] =	ssyncadd.s32 $0xFFFFC000  }
0xa8: {  	s12 =	sshll.u32 s12, $0x6;
	[bflag:$0x0] =	sbarrier.arrive $0xFFFF  }
0xa9: {  	s13 =	sshrl.u32 s5, $0x3;
	s12 =	sor.u32 $0x1C05, s12;
	s14 =	rddreg [dreg:$0x7]  }
0xaa: {  	[hbm:s14], [sflag:s12] =	dma.local [spmem:s13], $0x800  }
0xab: {  	_ =	swait.ge [sflag:s25], $0x800  }
0xac: {  	[sflag:s25] =	ssyncset.done $0x0  }
0xad: {  	s14 =	sshrl.u32 s6, $0x3;
	[sflag:s25] =	ssyncadd.s32 $0xFFFFF800  }
0xae: {  	[hbm:s15], [sflag:s12] =	dma.local [spmem:s14], $0x800  }
0xaf: {  	_ =	swait.ge [sflag:s25], $0x800  }
0xb0: {  	[sflag:s25] =	ssyncset.done $0x0  }
0xb1: {  	s14 =	sshrl.u32 s7, $0x3;
	[sflag:s25] =	ssyncadd.s32 $0xFFFFF800  }
0xb2: {  	[hbm:s16], [sflag:s12] =	dma.local [spmem:s14], $0x800  }
0xb3: {  	_ =	swait.ge [sflag:s25], $0x800  }
0xb4: {  	[sflag:s25] =	ssyncset.done $0x0  }
0xb5: {  	s14 =	sshrl.u32 s8, $0x3;
	[sflag:s25] =	ssyncadd.s32 $0xFFFFF800  }
0xb6: {  	[hbm:s17], [sflag:s12] =	dma.local [spmem:s14], $0x800  }
0xb7: {  	s11 =	sadd.s32 $0x1, s11;
	_ =	swait.ge [sflag:s25], $0x800  }
0xb8: {  	p0 =	sne.s32 s11, s19;
	[sflag:s25] =	ssyncset.done $0x0  }
.Ltmp2:
0xb9: {  	s14 =	sshrl.u32 s9, $0x3;
	[sflag:s25] =	ssyncadd.s32 $0xFFFFF800;
	(pc) =	sbr.rel @p0 .LBB2_1-.Ltmp2, $4  }
0xba: {  	[hbm:s18], [sflag:s12] =	dma.local [spmem:s14], $0x800  }
0xbb: {  	_ =	swait.ge [sflag:s25], $0x800  }
0xbc: {  	[sflag:s25] =	ssyncset.done $0x0  }
0xbd: {  	[sflag:s25] =	ssyncadd.s32 $0xFFFFF800  }
0xbe: {  	_ =	sfence.sel $0x180000  }
0xbf: {  	[bflag:$0x0] =	sbarrier.arrive $0xFFFF  }
0xc0: {  	_ =	strace $0x9000004A  }
0xc1: {  	s0 =	stileid.u32;
	[bflag:$0x2] =	sbarrier.arrive $0xFFFF  }
0xc2: {  	p0 =	sne.s32 s0, $0x0;
	s0 =	rddreg [dreg:$0x2]  }
0xc3: {  	s0 =	sadd.s32 @!p0 $0x100000, s0  }
0xc4: {  	[sflag:s0] =	ssyncadd.tile.s32 @!p0 $0x1;
	_ =	shalt  }
.Lfunc_end2:
_tile_overlayer_lowered:
.L_overlay_start_2:
0xc5: {  	(tag) =	ssettag $0x2  }
0xc6: {  	s0 =	rddreg [dreg:$0x0];
	s2 =	stileid.u32  }
0xc7: {  	s1 =	rddreg [dreg:$0x1];
	p0 =	sne.s32 s2, $0x0  }
0xc8: {  	s3 =	rddreg [dreg:$0x2];
	[bflag:$0x3] =	sbarrier.arrive $0xFFFF;
	s2 =	simm.s32 @!p0 $0x1C05  }
0xc9: {  	[timem:s3], [sflag:s2] =	dma.local @!p0 [hbm:s0], s1  }
0xca: {  	s0 =	simm.s32 @!p0 $0x5  }
0xcb: {  	_ =	swait.ge @!p0 [sflag:s0], s1  }
0xcc: {  	s1 =	ssub.s32 @!p0 $0x0, s1;
	[sflag:s0] =	ssyncset.done @!p0 $0x0  }
0xcd: {  	[sflag:s0] =	ssyncadd.s32 @!p0 s1  }
0xce: {  	[bflag:$0x3] =	sbarrier.arrive $0xFFFF  }
0xcf: {  	_ =	shalt  }

// kernel: kernel.4.cloned.1.call-start
scs
__scs_entry_jumppad:
0x0: {  	(pc) =	sbr.rel $0x88, $3  }
0x1: {  	(tag) =	ssettag $0x0;
	lr =	simm.s32 $0x1  }
0x2: {  	[smem:$0x3F88] =	sst lr;
	_ =	strace $0xD0000000  }
0x3: {  	_ = 	snop  }
0x4: {  	_ = 	snop  }
0x5: {  	_ = 	snop  }
0x6: {  	_ = 	snop  }
0x7: {  	_ = 	snop  }
__scs_overlays_trampoline_lowered:
0x8: {  	[smem:$0x3F97] =	sst s0  }
0x9: {  	[smem:$0x3F98] =	sst s1  }
0xa: {  	[smem:$0x3F99] =	sst s2  }
0xb: {  	[smem:$0x3F9A] =	sst s3  }
0xc: {  	[smem:$0x3F9B] =	sst s4  }
0xd: {  	[smem:$0x3F9C] =	sst s5  }
0xe: {  	[smem:$0x3F9D] =	sst s6  }
0xf: {  	[smem:$0x3F9E] =	sst s7  }
0x10: {  	[smem:$0x3F9F] =	sst s8  }
0x11: {  	[smem:$0x3FA0] =	sst s9;
	s0 =	simm.s32 @!p0 $0x0  }
0x12: {  	s1 =	sld [smem:$0x3F86];
	s0 =	simm.s32 @p0 $0x1  }
0x13: {  	[smem:$0x3FA1] =	sst s0;
	s0 =	simm.s32 @!p1 $0x0  }
0x14: {  	s2 =	sld [smem:$0x3F85];
	s0 =	simm.s32 @p1 $0x1  }
0x15: {  	[smem:$0x3FA2] =	sst s0;
	s0 =	simm.s32 @!p2 $0x0  }
0x16: {  	s3 =	sld [smem:$0x3FDB];
	s0 =	simm.s32 @p2 $0x1  }
0x17: {  	s4 =	simm.s32 $0x1BF5;
	[smem:$0x3FA4] =	sst s0  }
0x18: {  	s0 =	sld [smem:$0x3F87];
	_ =	swait.ge [sflag:s4], $0x0  }
0x19: {  	s7 =	sld [smem:$0x3F88]  }
0x1a: {  	s8 =	sadd.s32 $0xFFFFE003, lr  }
0x1b: {  	s9 =	sadd.s32 $0xFFFFFEF7, lr;
	s5 =	simm.s32 $0xFFFFFFFF;
	p2 =	slt.u32 s8, $0xFFFFF086  }
0x1c: {  	p1 =	slt.u32 s9, $0xF7A;
	s5 =	simm.s32 @!p2 $0x0  }
0x1d: {  	s5 =	simm.s32 @p1 $0x1;
	p0 =	seq.s32 s7, s2  }
0x1e: {  	s7 =	smul.u32 @!p0 $0xF7A, s2;
	p2 =	seq.s32 @!p0 s5, $0x0  }
0x1f: {  	s9 =	smul.u32 $0xF7A, s1;
	s8 =	simm.s32 @!p0 $0x1BF5;
	p2 =	por !p2, p0  }
0x20: {  	[sflag:s8] =	ssyncset.s32 @!p0 $0xFFFFF086;
	s6 =	sadd.s32 @!p0 s3, s7;
	s7 =	simm.s32 @!p0 $0x108  }
0x21: {  	s3 =	sadd.s32 s3, s9;
	s6 =	sadd.s32 @!p0 $0x88, s6;
	s7 =	simm.s32 @p2 $0x1082  }
0x22: {  	[simem:s7], [sflag:s8] =	dma.local @!p0 [hbm:s6], $0xF7A  }
0x23: {  	s9 =	sor.u32 $0xD0000000, s2;
	s6 =	simm.s32 $0x108;
	_ =	swait.ge @!p0 [sflag:s8], $0x0  }
0x24: {  	s3 =	sadd.s32 $0x88, s3;
	s6 =	simm.s32 @!p1 $0x1082;
	[sflag:s4] =	ssyncset.s32 $0xFFFFF086  }
0x25: {  	[simem:s6], [sflag:s4] =	dma.local [hbm:s3], $0xF7A  }
0x26: {  	[smem:$0x3F88] =	sst s1;
	(tag) =	ssettag s2;
	_ =	strace s9  }
0x27: {  	s1 =	sld [smem:$0x3F98]  }
0x28: {  	s2 =	sld [smem:$0x3F99]  }
0x29: {  	s4 =	sld [smem:$0x3F9B]  }
0x2a: {  	p0 =	seq.s32 s5, $0x0;
	s5 =	sld [smem:$0x3F9C]  }
0x2b: {  	s6 =	sld [smem:$0x3F9D]  }
0x2c: {  	s7 =	sld [smem:$0x3F9E]  }
0x2d: {  	s3 =	simm.s32 $0x108;
	s8 =	sld [smem:$0x3F9F]  }
0x2e: {  	s3 =	simm.s32 @!p0 $0x1082;
	s9 =	sld [smem:$0x3FA0]  }
0x2f: {  	lr =	sadd.s32 s0, s3;
	s0 =	sld [smem:$0x3F97]  }
0x30: {  	s3 =	sld [smem:$0x3F9A]  }
0x31: {  	[smem:$0x3FA3] =	sst s10  }
0x32: {  	s10 =	sld [smem:$0x3FA1];
	_ =	sdelay $0x3  }
0x33: {  	p0 =	seq.s32 s10, $0x1;
	s10 =	sld [smem:$0x3FA3];
	_ =	sdelay $0x3  }
0x34: {  	[smem:$0x3FA3] =	sst s10  }
0x35: {  	s10 =	sld [smem:$0x3FA2];
	_ =	sdelay $0x3  }
0x36: {  	p1 =	seq.s32 s10, $0x1;
	s10 =	sld [smem:$0x3FA3];
	_ =	sdelay $0x3  }
0x37: {  	[smem:$0x3FA3] =	sst s10  }
0x38: {  	s10 =	sld [smem:$0x3FA4]  }
0x39: {  	_ = 	snop;
	(pc) =	sbr.ind lr, $3  }
0x3a: {  	_ = 	snop  }
0x3b: {  	_ = 	snop  }
0x3c: {  	p2 =	seq.s32 s10, $0x1;
	s10 =	sld [smem:$0x3FA3]  }
0x3d: {  	_ =	shalt  }
0x3e: {  	_ =	shalt  }
0x3f: {  	_ =	shalt  }
0x40: {  	_ =	shalt  }
0x41: {  	_ =	shalt  }
0x42: {  	_ =	shalt  }
0x43: {  	_ =	shalt  }
0x44: {  	_ =	shalt  }
0x45: {  	_ =	shalt  }
0x46: {  	_ =	shalt  }
0x47: {  	_ =	shalt  }
0x48: {  	_ =	shalt  }
0x49: {  	_ =	shalt  }
0x4a: {  	_ =	shalt  }
0x4b: {  	_ =	shalt  }
0x4c: {  	_ =	shalt  }
0x4d: {  	_ =	shalt  }
0x4e: {  	_ =	shalt  }
0x4f: {  	_ =	shalt  }
0x50: {  	_ =	shalt  }
0x51: {  	_ =	shalt  }
0x52: {  	_ =	shalt  }
0x53: {  	_ =	shalt  }
0x54: {  	_ =	shalt  }
0x55: {  	_ =	shalt  }
0x56: {  	_ =	shalt  }
0x57: {  	_ =	shalt  }
0x58: {  	_ =	shalt  }
0x59: {  	_ =	shalt  }
0x5a: {  	_ =	shalt  }
0x5b: {  	_ =	shalt  }
0x5c: {  	_ =	shalt  }
0x5d: {  	_ =	shalt  }
0x5e: {  	_ =	shalt  }
0x5f: {  	_ =	shalt  }
0x60: {  	_ =	shalt  }
0x61: {  	_ =	shalt  }
0x62: {  	_ =	shalt  }
0x63: {  	_ =	shalt  }
0x64: {  	_ =	shalt  }
0x65: {  	_ =	shalt  }
0x66: {  	_ =	shalt  }
0x67: {  	_ =	shalt  }
0x68: {  	_ =	shalt  }
0x69: {  	_ =	shalt  }
0x6a: {  	_ =	shalt  }
0x6b: {  	_ =	shalt  }
0x6c: {  	_ =	shalt  }
0x6d: {  	_ =	shalt  }
0x6e: {  	_ =	shalt  }
0x6f: {  	_ =	shalt  }
0x70: {  	_ =	shalt  }
0x71: {  	_ =	shalt  }
0x72: {  	_ =	shalt  }
0x73: {  	_ =	shalt  }
0x74: {  	_ =	shalt  }
0x75: {  	_ =	shalt  }
0x76: {  	_ =	shalt  }
0x77: {  	_ =	shalt  }
0x78: {  	_ =	shalt  }
0x79: {  	_ =	shalt  }
0x7a: {  	_ =	shalt  }
0x7b: {  	_ =	shalt  }
0x7c: {  	_ =	shalt  }
0x7d: {  	_ =	shalt  }
0x7e: {  	_ =	shalt  }
0x7f: {  	_ =	shalt  }
0x80: {  	_ =	shalt  }
0x81: {  	_ =	shalt  }
0x82: {  	_ =	shalt  }
0x83: {  	_ =	shalt  }
0x84: {  	_ =	shalt  }
0x85: {  	_ =	shalt  }
0x86: {  	_ =	shalt  }
0x87: {  	_ =	shalt  }
.Lfunc_end0:
.L_simem_size_0:
called_computation.1_lowered:
.L_overlay_start_0:
0x88: {  	s2 =	sld [smem:$0x3FD9]  }
0x89: {  	s3 =	sld [smem:$0x3FFE];
	_ =	sdelay $0x1  }
0x8a: {  	s1 =	srdreg.scid  }
0x8b: {  	s0 =	sand.u32 $0x1, s1  }
0x8c: {  	s17 =	sshll.u32 s0, $0xA;
	s2 =	sadd.s32 s3, s2  }
0x8d: {  	s2 =	sadd.s32 s2, s17  }
0x8e: {  	[smem:$0x3FAF] =	sst s2  }
0x8f: {  	_ = 	snop  }
0x90: {  	s2 =	sld [smem:$0x3FC7]  }
0x91: {  	s18 =	sld [smem:$0x3FD0];
	(tm) =	ssettm $0x1  }
0x92: {  	s4 =	sld [smem:$0x3FFB];
	_ =	sdelay $0x3  }
0x93: {  	_ =	strace s4  }
0x94: {  	s4 =	sld [smem:$0x3FFC];
	_ =	sdelay $0x3  }
0x95: {  	_ =	strace s4  }
0x96: {  	s4 =	sld [smem:$0x3FFD];
	_ =	sdelay $0x3  }
0x97: {  	_ =	strace s4  }
0x98: {  	_ =	strace $0x8FFFFFFF  }
0x99: {  	s19 =	sld [smem:$0x3FDB];
	_ =	sdelay $0x1  }
0x9a: {  	s5 =	simm.s32 $_scs_section_size  }
0x9b: {  	s6 =	simm.s32 $_size__tile_overlayer_lowered;
	s7 =	simm.s32 $_tile_overlayer_lowered  }
0x9c: {  	s22 =	simm.s32 $0x1BFF;
	s21 =	sshll.u32 s7, $0x1;
	s4 =	sadd.s32 s5, s19  }
0x9d: {  	s8 =	simm.s32 $0x0;
	s20 =	sshll.u32 s6, $0x1;
	s6 =	sadd.s32 s21, s4  }
0x9e: {  	[timem:s8], [sflag:s22] =	dma.local [hbm:s6], s20  }
0x9f: {  	_ =	swait.ge [sflag:s22], s20  }
0xa0: {  	s5 =	ssub.s32 $0x0, s20;
	[sflag:s22] =	ssyncset.done $0x0  }
0xa1: {  	[sflag:s22] =	ssyncadd.s32 s5;
	_ =	sdelay $0x1  }
0xa2: {  	s23 =	simm.s32 $0x1B8B  }
0xa3: {  	_ =	swait.ge [sflag:s23], $0x1  }
0xa4: {  	[sflag:s23] =	ssyncset.done $0x0  }
0xa5: {  	s25 =	simm.s32 $0x1B8E;
	s24 =	sld [smem:$0x3FFE];
	[sflag:s23] =	ssyncadd.s32 $0xFFFFFFFF  }
0xa6: {  	s26 =	simm.s32 $execute0_lowered;
	[smem:$0x3FD2] =	sst s25  }
0xa7: {  	s6 =	sshll.u32 s26, $0x1;
	_ =	strace $0x80000046;
	[dreg:$0x1] =	wrdreg $0xFFFFFFFF  }
0xa8: {  	s28 =	simm.s32 $_size_execute0_lowered;
	s4 =	sadd.s32 s4, s6;
	[dreg:$0x0] =	wrdreg $0x0  }
0xa9: {  	s6 =	sshll.u32 s28, $0x1;
	[dreg:$0x2] =	wrdreg s4  }
0xaa: {  	[dreg:$0x3] =	wrdreg s6  }
0xab: {  	[dreg:$0x4] =	wrdreg $0xC0  }
0xac: {  	_ =	task [dreg:s8], $0x5FFFF  }
0xad: {  	[dreg:$0x1] =	wrdreg $0xFFFFFFFF  }
0xae: {  	[dreg:$0x0] =	wrdreg $0x60  }
0xaf: {  	[dreg:$0x2] =	wrdreg s18  }
0xb0: {  	[dreg:$0x3] =	wrdreg s2  }
0xb1: {  	[dreg:$0x4] =	wrdreg s24  }
0xb2: {  	[dreg:$0x5] =	wrdreg $0x9  }
0xb3: {  	_ =	task.clear_ibuf [dreg:s8], $0x6FFFF;
	_ =	strace $0x90000046  }
0xb4: {  	s29 =	simm.s32 $0x9;
	_ =	strace $0x80000048  }
0xb5: {  	_ =	swait.ge [sflag:s29], $0x1  }
0xb6: {  	[sflag:s29] =	ssyncadd.s32 $0xFFFFFFFF  }
0xb7: {  	_ =	strace $0x90000048  }
0xb8: {  	_ =	sfence  }
0xb9: {  	s30 =	sld [smem:$0x0];
	_ =	sdelay $0x2  }
0xba: {  	s31 =	sshll.u32 s1, $0xD;
	s1 =	sshrl.u32 s1, $0x2  }
0xbb: {  	s3 =	sand.u32 $0x4000, s31;
	s1 =	sadd.s32 s1, s30  }
0xbc: {  	s0 =	sor.u32 s3, s0;
	s1 =	sshll.u32 s1, $0x11  }
0xbd: {  	s0 =	sor.u32 s1, s0  }
0xbe: {  	s0 =	sadd.s32 $0x8F2B, s0  }
0xbf: {  	[sflag:s0] =	ssyncadd.remote.s32 $0x1  }
0xc0: {  	_ =	sfence.sel $0xFFFF  }
0xc1: {  	[dreg:$0x0] =	wrdreg $0xFFFFFFFF;
	(pc) =	sbr.abs _section_cstart, $3  }
0xc2: {  	[dreg:$0x1] =	wrdreg $0xFFFFFFFF  }
0xc3: {  	_ =	task.clear_ibuf [dreg:s8], $0x2FFFF;
	_ =	strace $0x9FFFFFFF  }
0xc4: {  	(tm) =	ssettm $0x7FFFFFFF  }
0xc5: {  	_ =	shalt  }
tec
execute0_lowered:
.L_overlay_start_1:
0x0: {  	(tag) =	ssettag $0x1  }
0x1: {  	s4 =	rddreg [dreg:$0x0]  }
0x2: {  	s2 =	rddreg [dreg:$0x1]  }
0x3: {  	s1 =	srdreg.scid;
	s0 =	stileid.u32  }
0x4: {  	s15 =	rddreg [dreg:$0x2];
	s20 =	sand.u32 $0x1, s1;
	s5 =	sshll.u32 s0, $0x1  }
0x5: {  	s3 =	simm.s32 $0x0;
	s1 =	rddreg [dreg:$0x3];
	s16 =	sor.u32 s20, s5  }
0x6: {  	[smem:$0x7FF] =	sst s3;
	s5 =	sshll.u32 s16, $0x6  }
0x7: {  	_ =	strace $0x80000047;
	s5 =	sadd.s32 s4, s5;
	s4 =	simm.s32 $0x5  }
0x8: {  	[tilespmem:s3], [sflag:$0x5] =	stream.linear.gather [hbm4b:s5+s3], $0x200, $0x38;
	[tilespmem:$0xA200] =	vst v63  }
0x9: {  	_ =	swait.ge [sflag:s4], $0x200  }
0xa: {  	[sflag:s4] =	ssyncset.done $0x0  }
0xb: {  	s6 =	simm.s32 $0x50;
	s7 =	simm.s32 $0x200;
	[sflag:s4] =	ssyncadd.s32 $0xFFFFFE00  }
0xc: {  	[tilespmem:s7], [sflag:$0x1] =	stream.indirect.gather [hbm4b:s2+s6], $0x80, s3, s6, $0xb8;
	[tilespmem:$0xA200] =	vst v63  }
0xd: {  	s8 =	simm.s32 $0x80;
	s9 =	simm.s32 $0x2A00  }
0xe: {  	[tilespmem:s9], [sflag:$0x2] =	stream.indirect.gather [hbm4b:s2+s6], $0x80, s8, s6, $0xb8;
	[tilespmem:$0xA200] =	vst v63  }
0xf: {  	s10 =	simm.s32 $0x100;
	s11 =	simm.s32 $0x5200  }
0x10: {  	[tilespmem:s11], [sflag:$0x3] =	stream.indirect.gather [hbm4b:s2+s6], $0x80, s10, s6, $0xb8;
	[tilespmem:$0xA200] =	vst v63  }
0x11: {  	s12 =	simm.s32 $0x180;
	s13 =	simm.s32 $0x7A00;
	s14 =	simm.s32 $0x1  }
0x12: {  	[tilespmem:s13], [sflag:$0x4] =	stream.indirect.gather [hbm4b:s2+s6], $0x80, s12, s6, $0xb8;
	[tilespmem:$0xA200] =	vst v63  }
0x13: {  	s17 =	smul.u32 $0x1400, s16;
	_ =	swait.ge [sflag:s14], $0x2800  }
0x14: {  	s18 =	sadd.s32 $0x5800, s15;
	[sflag:s14] =	ssyncset.done $0x0  }
0x15: {  	s15 =	sadd.s32 s18, s17;
	[sflag:s14] =	ssyncadd.s32 $0xFFFFD800  }
0x16: {  	[hbm4b:s15+s3] =	stream.linear.scatter [tilespmem:s7], [sflag:$0x5], $0x2800, $0x38;
	[tilespmem:$0xA200] =	vst v63  }
0x17: {  	_ =	swait.ge [sflag:s4], $0x2800  }
0x18: {  	s31 =	smul.u32 $0xA000, s16;
	[sflag:s4] =	ssyncset.done $0x0  }
0x19: {  	s16 =	simm.s32 $0x2;
	[sflag:s4] =	ssyncadd.s32 $0xFFFFD800  }
0x1a: {  	s17 =	sshrl.u32 s31, $0x3;
	_ =	swait.ge [sflag:s16], $0x2800  }
0x1b: {  	s21 =	sadd.s32 s18, s17;
	[sflag:s16] =	ssyncset.done $0x0  }
0x1c: {  	s17 =	sadd.s32 $0x500, s21;
	[sflag:s16] =	ssyncadd.s32 $0xFFFFD800  }
0x1d: {  	[hbm4b:s17+s3] =	stream.linear.scatter [tilespmem:s9], [sflag:$0x5], $0x2800, $0x38;
	[tilespmem:$0xA200] =	vst v63  }
0x1e: {  	_ =	swait.ge [sflag:s4], $0x2800  }
0x1f: {  	[sflag:s4] =	ssyncset.done $0x0  }
0x20: {  	s18 =	simm.s32 $0x3;
	[sflag:s4] =	ssyncadd.s32 $0xFFFFD800  }
0x21: {  	_ =	swait.ge [sflag:s18], $0x2800  }
0x22: {  	[sflag:s18] =	ssyncset.done $0x0  }
0x23: {  	s22 =	ssub.s32 $0x2, s20;
	s19 =	sadd.s32 $0xA00, s21;
	[sflag:s18] =	ssyncadd.s32 $0xFFFFD800  }
0x24: {  	[hbm4b:s19+s3] =	stream.linear.scatter [tilespmem:s11], [sflag:$0x5], $0x2800, $0x38;
	[tilespmem:$0xA200] =	vst v63  }
0x25: {  	s23 =	sshrl.u32 s22, $0x1;
	_ =	swait.ge [sflag:s4], $0x2800  }
0x26: {  	s22 =	ssub.s32 s22, s23;
	[sflag:s4] =	ssyncset.done $0x0  }
0x27: {  	s20 =	simm.s32 $0x4;
	s22 =	smax.u32 s22, $0x1;
	[sflag:s4] =	ssyncadd.s32 $0xFFFFD800  }
0x28: {  	p0 =	sne.s32 s22, $0x1;
	_ =	swait.ge [sflag:s20], $0x2800  }
.Ltmp0:
0x29: {  	[sflag:s20] =	ssyncset.done $0x0;
	(pc) =	sbr.rel @!p0 .LBB2_2-.Ltmp0, $4  }
0x2a: {  	s21 =	sadd.s32 $0xF00, s21;
	[sflag:s20] =	ssyncadd.s32 $0xFFFFD800  }
0x2b: {  	[hbm4b:s21+s3] =	stream.linear.scatter [tilespmem:s13], [sflag:$0x5], $0x2800, $0x38;
	[tilespmem:$0xA200] =	vst v63  }
0x2c: {  	_ =	swait.ge [sflag:s4], $0x2800  }
0x2d: {  	s22 =	sadd.s32 $0xFFFFFFFF, s22;
	[sflag:s4] =	ssyncset.done $0x0  }
.LBB2_1:
0x2e: {  	p0 =	sne.s32 s22, $0x1;
	s22 =	sadd.s32 $0xFFFFFFFF, s22;
	[sflag:s4] =	ssyncadd.s32 $0xFFFFD800  }
0x2f: {  	[tilespmem:s3], [sflag:$0x5] =	stream.linear.gather [hbm4b:s5+s3], $0x200, $0x38;
	[tilespmem:$0xA200] =	vst v63  }
0x30: {  	_ =	swait.ge [sflag:s4], $0x200  }
0x31: {  	[sflag:s4] =	ssyncset.done $0x0  }
0x32: {  	[sflag:s4] =	ssyncadd.s32 $0xFFFFFE00  }
0x33: {  	[tilespmem:s7], [sflag:$0x1] =	stream.indirect.gather [hbm4b:s2+s6], $0x80, s3, s6, $0xb8;
	[tilespmem:$0xA200] =	vst v63  }
0x34: {  	_ = 	snop  }
0x35: {  	[tilespmem:s9], [sflag:$0x2] =	stream.indirect.gather [hbm4b:s2+s6], $0x80, s8, s6, $0xb8;
	[tilespmem:$0xA200] =	vst v63  }
0x36: {  	_ = 	snop  }
0x37: {  	[tilespmem:s11], [sflag:$0x3] =	stream.indirect.gather [hbm4b:s2+s6], $0x80, s10, s6, $0xb8;
	[tilespmem:$0xA200] =	vst v63  }
0x38: {  	_ = 	snop  }
0x39: {  	[tilespmem:s13], [sflag:$0x4] =	stream.indirect.gather [hbm4b:s2+s6], $0x80, s12, s6, $0xb8;
	[tilespmem:$0xA200] =	vst v63  }
0x3a: {  	_ =	swait.ge [sflag:s14], $0x2800  }
0x3b: {  	[sflag:s14] =	ssyncset.done $0x0  }
0x3c: {  	[sflag:s14] =	ssyncadd.s32 $0xFFFFD800  }
0x3d: {  	[hbm4b:s15+s3] =	stream.linear.scatter [tilespmem:s7], [sflag:$0x5], $0x2800, $0x38;
	[tilespmem:$0xA200] =	vst v63  }
0x3e: {  	_ =	swait.ge [sflag:s4], $0x2800  }
0x3f: {  	[sflag:s4] =	ssyncset.done $0x0  }
0x40: {  	[sflag:s4] =	ssyncadd.s32 $0xFFFFD800  }
0x41: {  	_ =	swait.ge [sflag:s16], $0x2800  }
0x42: {  	[sflag:s16] =	ssyncset.done $0x0  }
0x43: {  	[sflag:s16] =	ssyncadd.s32 $0xFFFFD800  }
0x44: {  	[hbm4b:s17+s3] =	stream.linear.scatter [tilespmem:s9], [sflag:$0x5], $0x2800, $0x38;
	[tilespmem:$0xA200] =	vst v63  }
0x45: {  	_ =	swait.ge [sflag:s4], $0x2800  }
0x46: {  	[sflag:s4] =	ssyncset.done $0x0  }
0x47: {  	[sflag:s4] =	ssyncadd.s32 $0xFFFFD800  }
0x48: {  	_ =	swait.ge [sflag:s18], $0x2800  }
0x49: {  	[sflag:s18] =	ssyncset.done $0x0  }
0x4a: {  	[sflag:s18] =	ssyncadd.s32 $0xFFFFD800  }
0x4b: {  	[hbm4b:s19+s3] =	stream.linear.scatter [tilespmem:s11], [sflag:$0x5], $0x2800, $0x38;
	[tilespmem:$0xA200] =	vst v63  }
0x4c: {  	_ =	swait.ge [sflag:s4], $0x2800  }
0x4d: {  	[sflag:s4] =	ssyncset.done $0x0  }
0x4e: {  	[sflag:s4] =	ssyncadd.s32 $0xFFFFD800  }
0x4f: {  	_ =	swait.ge [sflag:s20], $0x2800  }
.Ltmp1:
0x50: {  	[sflag:s20] =	ssyncset.done $0x0;
	(pc) =	sbr.rel @p0 .LBB2_1-.Ltmp1, $4  }
0x51: {  	[sflag:s20] =	ssyncadd.s32 $0xFFFFD800  }
0x52: {  	[hbm4b:s21+s3] =	stream.linear.scatter [tilespmem:s13], [sflag:$0x5], $0x2800, $0x38;
	[tilespmem:$0xA200] =	vst v63  }
0x53: {  	_ =	swait.ge [sflag:s4], $0x2800  }
0x54: {  	[sflag:s4] =	ssyncset.done $0x0  }
.LBB2_2:
0x55: {  	[sflag:s4] =	ssyncadd.s32 $0xFFFFD800  }
0x56: {  	_ =	sfence.sel $0x180000  }
0x57: {  	[bflag:$0x0] =	sbarrier.arrive $0xFFFF  }
0x58: {  	p0 =	sne.s32 s0, $0x0;
	_ =	strace $0x90000047  }
0x59: {  	s0 =	sadd.s32 @!p0 $0x100000, s1;
	[bflag:$0x2] =	sbarrier.arrive $0xFFFF  }
0x5a: {  	[sflag:s0] =	ssyncadd.tile.s32 @!p0 $0x1;
	_ =	shalt  }
.Lfunc_end2:
_tile_overlayer_lowered:
.L_overlay_start_2:
0x5b: {  	(tag) =	ssettag $0x2  }
0x5c: {  	s0 =	rddreg [dreg:$0x0];
	s2 =	stileid.u32  }
0x5d: {  	s1 =	rddreg [dreg:$0x1];
	p0 =	sne.s32 s2, $0x0  }
0x5e: {  	s3 =	rddreg [dreg:$0x2];
	[bflag:$0x3] =	sbarrier.arrive $0xFFFF;
	s2 =	simm.s32 @!p0 $0x1C05  }
0x5f: {  	[timem:s3], [sflag:s2] =	dma.local @!p0 [hbm:s0], s1  }
0x60: {  	s0 =	simm.s32 @!p0 $0x5  }
0x61: {  	_ =	swait.ge @!p0 [sflag:s0], s1  }
0x62: {  	s1 =	ssub.s32 @!p0 $0x0, s1;
	[sflag:s0] =	ssyncset.done @!p0 $0x0  }
0x63: {  	[sflag:s0] =	ssyncadd.s32 @!p0 s1  }
0x64: {  	[bflag:$0x3] =	sbarrier.arrive $0xFFFF  }
0x65: {  	_ =	shalt  }

</sc_bundles>
